<compile_context>
chip_gen: v7x
topology: tpu7x:2x2x1
jax: 0.10.2.dev20260603
libtpu: 0.0.44.dev20260713+nightly
codegen_flags: <defaults>
</compile_context>

<pallas_src>
import dataclasses
import functools

import jax
import jax.numpy as jnp
from jax.experimental import pallas as pl
from jax.experimental.pallas import tpu as pltpu
from jax.experimental.pallas import tpu_sc as plsc

N_ROWS = 1000000
N_COLS = 26
NS = 200
BR = 200
NB = N_ROWS // BR
BIAS = 4096
OFF2 = N_COLS - 16


def _sc_body(x_hbm, a_hbm, b_hbm, cb_hbm, yt_hbm, dy_hbm, o_hbm,
             yt_v, dy_v, a_v, b_v, cb_v):
    pltpu.sync_copy(yt_hbm, yt_v)
    pltpu.sync_copy(dy_hbm, dy_v)
    pltpu.sync_copy(a_hbm, a_v)
    pltpu.sync_copy(b_hbm, b_v)
    pltpu.sync_copy(cb_hbm, cb_v)

    def block(in_v, out_v):
        pats = [(a_v[pl.ds(v * 16, 16)], b_v[pl.ds(v * 16, 16)],
                 cb_v[pl.ds(v * 16, 16)]) for v in range(2)]

        @plsc.parallel_loop(0, BR, 1, unroll=8)
        def _(r):
            for v, (av, bv, cb) in enumerate(pats):
                off = v * OFF2
                x = in_v[r, pl.ds(off, 16)]
                fid = x * av + bv
                ti = fid.astype(jnp.int32)
                frac = fid - ti.astype(jnp.float32)
                gi = jnp.minimum(jnp.maximum(ti, BIAS), BIAS + NS - 2) + cb
                y0 = plsc.load_gather(yt_v, [gi])
                dy = plsc.load_gather(dy_v, [gi])
                out_v[r, pl.ds(off, 16)] = y0 + frac * dy

    pltpu.emit_pipeline(
        block,
        grid=(NB,),
        in_specs=[pl.BlockSpec((BR, N_COLS), lambda i: (i, 0))],
        out_specs=[pl.BlockSpec((BR, N_COLS), lambda i: (i, 0))],
        core_axis_name=("c", "s"),
        dimension_semantics=(pltpu.PARALLEL,),
    )(x_hbm, o_hbm)


def kernel(X, transforms_X, transforms_Y):
    xb0 = transforms_X[:, 0]
    xb1 = transforms_X[:, 1]
    rinv = 1.0 / (xb1 - xb0)
    a = rinv * (NS - 1)
    b = -xb0 * rinv * (NS - 1) + BIAS
    col = jnp.concatenate([jnp.arange(16, dtype=jnp.int32),
                           jnp.arange(OFF2, N_COLS, dtype=jnp.int32)])
    a_pat = a[col]
    b_pat = b[col]
    cb_pat = col * NS - BIAS
    ytab = transforms_Y.reshape(-1)
    dtab = jnp.pad(transforms_Y[:, 1:] - transforms_Y[:, :-1],
                   ((0, 0), (0, 1))).reshape(-1)
    mesh = plsc.VectorSubcoreMesh(core_axis_name="c", subcore_axis_name="s")
    cp = pltpu.CompilerParams()
    if "needs_layout_passes" in pltpu.CompilerParams.__dataclass_fields__:
        cp = dataclasses.replace(cp, needs_layout_passes=False)

    run = functools.partial(
        pl.kernel,
        mesh=mesh,
        compiler_params=cp,
        out_type=jax.ShapeDtypeStruct((N_ROWS, N_COLS), jnp.float32),
        scratch_types=[
            pltpu.VMEM((N_COLS * NS,), jnp.float32),
            pltpu.VMEM((N_COLS * NS,), jnp.float32),
            pltpu.VMEM((32,), jnp.float32),
            pltpu.VMEM((32,), jnp.float32),
            pltpu.VMEM((32,), jnp.int32),
        ],
    )(_sc_body)

    return run(X, a_pat, b_pat, cb_pat, ytab, dtab)

# --- scband reference (transcript-rebuilt; emitter-appended) ---
"""Pipeline reference for scband-fast-quantile-layer-66752381714572 (READ-ONLY COPY).

The authoritative reference and input builder live on the scoring server;
editing this copy changes nothing except your own understanding.
"""

import jax, jax.numpy as jnp
import numpy as np

N_ROWS = 1000000
N_COLS = 26
N_SAMPLES = 200


def setup_inputs(seed: int = 0) -> dict:
    key = jax.random.key(seed)
    k1, k2, k3 = jax.random.split(key, 3)
    # forward input: one row per event, one column per feature
    X = jax.random.normal(k1, (N_ROWS, N_COLS), dtype=jnp.float32)
    # fitted (non-trainable) parameters, as produced by FastQuantileLayer.fit:
    #  _transforms_X: per-column (xmin, xmax) boundaries, shape [C, 2]
    #  _transforms_Y: per-column interpolation table, shape [C, n_samples],
    #                 monotonically increasing in [0, 1] for 'uniform' output
    scales = jax.random.uniform(k2, (N_COLS,), minval=0.5, maxval=2.0, dtype=jnp.float32)
    xmin = -4.0 * scales
    xmax = 4.0 * scales
    transforms_X = jnp.stack([xmin, xmax], axis=1).astype(jnp.float32)
    transforms_Y = jnp.sort(
        jax.random.uniform(k3, (N_COLS, N_SAMPLES), dtype=jnp.float32), axis=1
    )
    return {"X": X, "transforms_X": transforms_X, "transforms_Y": transforms_Y}


def reference(X, transforms_X, transforms_Y):
    # Faithful, vectorized translation of FastQuantileLayer.transform /
    # _transform_column (the per-column python loop is fused via broadcasting).
    Ns = transforms_Y.shape[1]
    xb0 = transforms_X[:, 0]  # [C]
    xb1 = transforms_X[:, 1]  # [C]
    R = xb1 - xb0             # [C]
    # x_id = (X / R - x_boundaries[0] / R) * (N - 1)
    x_id = (X / R[None, :] - (xb0 / R)[None, :]) * (Ns - 1)  # [N, C]
    x_0f = jnp.floor(x_id)
    x_0 = jnp.clip(x_0f.astype(jnp.int64), 0, Ns - 2)  # [N, C]
    x_1 = x_0 + 1
    # gather y values: tf.gather(y_values, idx) per column
    Yt = transforms_Y.T  # [Ns, C]
    y_0 = jnp.take_along_axis(Yt, x_0, axis=0)  # [N, C]
    y_1 = jnp.take_along_axis(Yt, x_1, axis=0)  # [N, C]
    y = y_0 + jnp.clip(x_id - x_0f, 0.0, 1.0) * (y_1 - y_0)
    # original stacks columns then transposes -> [N, C]; already [N, C] here
    return y

if __name__ == "__main__":
    import jax
    _d = setup_inputs()
    print(jax.jit(kernel)(*tuple(_d.values())))

</pallas_src>

<mosaic_0001>
#map = affine_map<(d0, d1) -> (0, 0)>
#map1 = affine_map<(d0, d1) -> (0)>
module attributes {stable_mosaic.version = 14 : i64} {
  func.func @_sc_body(%arg0: i32, %arg1: i32, %arg2: memref<1000000x26xf32, #tpu.memory_space<hbm>>, %arg3: memref<32xf32, #tpu.memory_space<hbm>>, %arg4: memref<32xf32, #tpu.memory_space<hbm>>, %arg5: memref<32xi32, #tpu.memory_space<hbm>>, %arg6: memref<5200xf32, #tpu.memory_space<hbm>>, %arg7: memref<5200xf32, #tpu.memory_space<hbm>>, %arg8: memref<1000000x26xf32, #tpu.memory_space<hbm>>, %arg9: memref<5200xf32, #tpu.memory_space<vmem>>, %arg10: memref<5200xf32, #tpu.memory_space<vmem>>, %arg11: memref<32xf32, #tpu.memory_space<vmem>>, %arg12: memref<32xf32, #tpu.memory_space<vmem>>, %arg13: memref<32xi32, #tpu.memory_space<vmem>>) attributes {dimension_semantics = [#tpu.dimension_semantics<core_parallel>, #tpu.dimension_semantics<subcore_parallel>], iteration_bounds = array<i64: 2, 16>, scalar_prefetch = 0 : i64, scratch_operands = 5 : i64, tpu.core_type = #tpu.core_type<sc_vector_subcore>, window_params = [{transform_indices = #map}, {transform_indices = #map1}, {transform_indices = #map1}, {transform_indices = #map1}, {transform_indices = #map1}, {transform_indices = #map1}, {transform_indices = #map}]} {
    "tpu.region"() ({
      %run_scoped3A = tpu.sem_alloc : memref<!tpu.dma_semaphore, #tpu.memory_space<semaphore_mem>>
      tpu.enqueue_dma source(%arg6 : memref<5200xf32, #tpu.memory_space<hbm>>) target(%arg9 : memref<5200xf32, #tpu.memory_space<vmem>>) target_semaphore(%run_scoped3A : memref<!tpu.dma_semaphore, #tpu.memory_space<semaphore_mem>>)
      tpu.wait_dma2 semaphore(%run_scoped3A : memref<!tpu.dma_semaphore, #tpu.memory_space<semaphore_mem>>) src(%arg6 : memref<5200xf32, #tpu.memory_space<hbm>>) dst(%arg9 : memref<5200xf32, #tpu.memory_space<vmem>>)
      tpu.yield
    }) : () -> ()
    "tpu.region"() ({
      %run_scoped3A = tpu.sem_alloc : memref<!tpu.dma_semaphore, #tpu.memory_space<semaphore_mem>>
      tpu.enqueue_dma source(%arg7 : memref<5200xf32, #tpu.memory_space<hbm>>) target(%arg10 : memref<5200xf32, #tpu.memory_space<vmem>>) target_semaphore(%run_scoped3A : memref<!tpu.dma_semaphore, #tpu.memory_space<semaphore_mem>>)
      tpu.wait_dma2 semaphore(%run_scoped3A : memref<!tpu.dma_semaphore, #tpu.memory_space<semaphore_mem>>) src(%arg7 : memref<5200xf32, #tpu.memory_space<hbm>>) dst(%arg10 : memref<5200xf32, #tpu.memory_space<vmem>>)
      tpu.yield
    }) : () -> ()
    "tpu.region"() ({
      %run_scoped3A = tpu.sem_alloc : memref<!tpu.dma_semaphore, #tpu.memory_space<semaphore_mem>>
      tpu.enqueue_dma source(%arg3 : memref<32xf32, #tpu.memory_space<hbm>>) target(%arg11 : memref<32xf32, #tpu.memory_space<vmem>>) target_semaphore(%run_scoped3A : memref<!tpu.dma_semaphore, #tpu.memory_space<semaphore_mem>>)
      tpu.wait_dma2 semaphore(%run_scoped3A : memref<!tpu.dma_semaphore, #tpu.memory_space<semaphore_mem>>) src(%arg3 : memref<32xf32, #tpu.memory_space<hbm>>) dst(%arg11 : memref<32xf32, #tpu.memory_space<vmem>>)
      tpu.yield
    }) : () -> ()
    "tpu.region"() ({
      %run_scoped3A = tpu.sem_alloc : memref<!tpu.dma_semaphore, #tpu.memory_space<semaphore_mem>>
      tpu.enqueue_dma source(%arg4 : memref<32xf32, #tpu.memory_space<hbm>>) target(%arg12 : memref<32xf32, #tpu.memory_space<vmem>>) target_semaphore(%run_scoped3A : memref<!tpu.dma_semaphore, #tpu.memory_space<semaphore_mem>>)
      tpu.wait_dma2 semaphore(%run_scoped3A : memref<!tpu.dma_semaphore, #tpu.memory_space<semaphore_mem>>) src(%arg4 : memref<32xf32, #tpu.memory_space<hbm>>) dst(%arg12 : memref<32xf32, #tpu.memory_space<vmem>>)
      tpu.yield
    }) : () -> ()
    "tpu.region"() ({
      %run_scoped3A = tpu.sem_alloc : memref<!tpu.dma_semaphore, #tpu.memory_space<semaphore_mem>>
      tpu.enqueue_dma source(%arg5 : memref<32xi32, #tpu.memory_space<hbm>>) target(%arg13 : memref<32xi32, #tpu.memory_space<vmem>>) target_semaphore(%run_scoped3A : memref<!tpu.dma_semaphore, #tpu.memory_space<semaphore_mem>>)
      tpu.wait_dma2 semaphore(%run_scoped3A : memref<!tpu.dma_semaphore, #tpu.memory_space<semaphore_mem>>) src(%arg5 : memref<32xi32, #tpu.memory_space<hbm>>) dst(%arg13 : memref<32xi32, #tpu.memory_space<vmem>>)
      tpu.yield
    }) : () -> ()
    %mul3A = arith.constant 1 : i32
    %mul3A_0 = arith.muli %arg1, %mul3A : i32
    %add3A = arith.constant 0 : i32
    %add3A_1 = arith.addi %add3A, %mul3A_0 : i32
    %mul3A_2 = arith.constant 16 : i32
    %mul3A_3 = arith.muli %arg0, %mul3A_2 : i32
    %add3A_4 = arith.addi %add3A_1, %mul3A_3 : i32
    %lt3A = arith.constant 8 : i32
    %lt3A_5 = arith.cmpi slt, %add3A_4, %lt3A : i32
    %jit3A = arith.constant 157 : i32
    %jit3A_6 = arith.constant 156 : i32
    %select_n3A = arith.select %lt3A_5, %jit3A, %jit3A_6 : i32
    %lt3A_7 = arith.constant 8 : i32
    %lt3A_8 = arith.cmpi slt, %add3A_4, %lt3A_7 : i32
    %mul3A_9 = arith.muli %add3A_4, %select_n3A : i32
    %mul3A_10 = arith.constant 156 : i32
    %mul3A_11 = arith.muli %add3A_4, %mul3A_10 : i32
    %add3A_12 = arith.constant 8 : i32
    %add3A_13 = arith.addi %mul3A_11, %add3A_12 : i32
    %select_n3A_14 = arith.select %lt3A_8, %mul3A_9, %add3A_13 : i32
    %mul3A_15 = arith.constant 1 : i32
    %mul3A_16 = arith.muli %mul3A_15, %select_n3A : i32
    "tpu.region"() ({
      %run_scoped3A = memref.alloca() : memref<2x200x26xf32, #tpu.memory_space<vmem>>
      %run_scoped3A_17 = tpu.sem_alloc : memref<2x!tpu.dma_semaphore, #tpu.memory_space<semaphore_mem>>
      %run_scoped3A_18 = memref.alloca() : memref<2x200x26xf32, #tpu.memory_space<vmem>>
      %run_scoped3A_19 = tpu.sem_alloc : memref<2x!tpu.dma_semaphore, #tpu.memory_space<semaphore_mem>>
      %gt3A = arith.constant 0 : i32
      %gt3A_20 = arith.cmpi sgt, %mul3A_16, %gt3A : i32
      %convert_element_type3A = arith.extui %gt3A_20 : i1 to i32
      %cond3A = arith.constant 0 : i32
      %cond3A_21 = arith.cmpi ne, %convert_element_type3A, %cond3A : i32
      scf.if %cond3A_21 {
        %mul3A_22 = arith.constant 1 : i32
        %mul3A_23 = arith.muli %mul3A_22, %select_n3A : i32
        %sub3A = arith.constant 1 : i32
        %sub3A_24 = arith.subi %mul3A_23, %sub3A : i32
        %eq3A = arith.constant 0 : i32
        %eq3A_25 = arith.cmpi eq, %sub3A_24, %eq3A : i32
        %add3A_26 = arith.constant 0 : i32
        %add3A_27 = arith.addi %add3A_26, %select_n3A_14 : i32
        %select_n3A_28 = arith.constant true
        %select_n3A_29 = arith.constant 0 : i32
        %select_n3A_30 = arith.constant -1 : i32
        %select_n3A_31 = arith.select %select_n3A_28, %select_n3A_30, %select_n3A_29 : i32
        %eq3A_32 = arith.constant -1 : i32
        %eq3A_33 = arith.cmpi eq, %select_n3A_31, %eq3A_32 : i32
        %sub3A_34 = arith.constant 1 : i32
        %sub3A_35 = arith.subi %select_n3A, %sub3A_34 : i32
        %select_n3A_36 = arith.select %eq3A_33, %sub3A_35, %select_n3A_31 : i32
        %add3A_37 = arith.addi %select_n3A_36, %select_n3A_14 : i32
        %select_n3A_38 = arith.constant true
        %select_n3A_39 = arith.constant 0 : i32
        %select_n3A_40 = arith.constant 1 : i32
        %select_n3A_41 = arith.select %select_n3A_38, %select_n3A_40, %select_n3A_39 : i32
        %eq3A_42 = arith.cmpi eq, %select_n3A_41, %select_n3A : i32
        %select_n3A_43 = arith.constant 0 : i32
        %select_n3A_44 = arith.select %eq3A_42, %select_n3A_43, %select_n3A_41 : i32
        %add3A_45 = arith.addi %select_n3A_44, %select_n3A_14 : i32
        %add3A_46 = arith.constant 1 : i32
        %add3A_47 = arith.addi %select_n3A_44, %add3A_46 : i32
        %select_n3A_48 = arith.constant true
        %select_n3A_49 = arith.select %select_n3A_48, %add3A_47, %select_n3A_44 : i32
        %eq3A_50 = arith.cmpi eq, %select_n3A_49, %select_n3A : i32
        %select_n3A_51 = arith.constant 0 : i32
        %select_n3A_52 = arith.select %eq3A_50, %select_n3A_51, %select_n3A_49 : i32
        %add3A_53 = arith.addi %select_n3A_52, %select_n3A_14 : i32
        "tpu.trace_start"() <{level = 10 : i32, message = "ep_initialize_0"}> : () -> ()
        %rem3A = arith.constant 0 : i32
        %rem3A_54 = arith.constant 2 : i32
        %rem3A_55 = arith.remui %rem3A, %rem3A_54 : i32
        %mul3A_56 = arith.constant 200 : i32
        %mul3A_57 = arith.muli %mul3A_56, %add3A_27 : i32
        %dma_start3A = arith.constant 0 : i32
        %dma_start3A_58 = arith.constant 0 : i32
        %dma_start3A_59 = tpu.memref_slice %run_scoped3A[%rem3A_55, %dma_start3A, %dma_start3A_58] : memref<2x200x26xf32, #tpu.memory_space<vmem>> -> memref<1x200x26xf32, #tpu.memory_space<vmem>>
        %dma_start3A_60 = tpu.memref_squeeze %dma_start3A_59 : memref<1x200x26xf32, #tpu.memory_space<vmem>> -> memref<200x26xf32, #tpu.memory_space<vmem>>
        %dma_start3A_61 = arith.constant 0 : i32
        %dma_start3A_62 = tpu.memref_slice %arg2[%mul3A_57, %dma_start3A_61] : memref<1000000x26xf32, #tpu.memory_space<hbm>> -> memref<200x26xf32, #tpu.memory_space<hbm>>
        %dma_start3A_63 = tpu.memref_slice %run_scoped3A_17[%rem3A_55] : memref<2x!tpu.dma_semaphore, #tpu.memory_space<semaphore_mem>> -> memref<1x!tpu.dma_semaphore, #tpu.memory_space<semaphore_mem>>
        %dma_start3A_64 = tpu.memref_squeeze %dma_start3A_63 : memref<1x!tpu.dma_semaphore, #tpu.memory_space<semaphore_mem>> -> memref<!tpu.dma_semaphore, #tpu.memory_space<semaphore_mem>>
        %dma_start3A_65 = arith.constant 0 : i32
        %dma_start3A_66 = arith.constant 0 : i32
        %dma_start3A_67 = tpu.memref_slice %run_scoped3A[%rem3A_55, %dma_start3A_65, %dma_start3A_66] : memref<2x200x26xf32, #tpu.memory_space<vmem>> -> memref<1x200x26xf32, #tpu.memory_space<vmem>>
        %dma_start3A_68 = tpu.memref_squeeze %dma_start3A_67 : memref<1x200x26xf32, #tpu.memory_space<vmem>> -> memref<200x26xf32, #tpu.memory_space<vmem>>
        %dma_start3A_69 = arith.constant 0 : i32
        %dma_start3A_70 = tpu.memref_slice %arg2[%mul3A_57, %dma_start3A_69] : memref<1000000x26xf32, #tpu.memory_space<hbm>> -> memref<200x26xf32, #tpu.memory_space<hbm>>
        tpu.enqueue_dma source(%dma_start3A_70 : memref<200x26xf32, #tpu.memory_space<hbm>>) target(%dma_start3A_68 : memref<200x26xf32, #tpu.memory_space<vmem>>) target_semaphore(%dma_start3A_64 : memref<!tpu.dma_semaphore, #tpu.memory_space<semaphore_mem>>)
        %add3A_71 = arith.constant 0 : i32
        %add3A_72 = arith.constant 1 : i32
        %add3A_73 = arith.addi %add3A_71, %add3A_72 : i32
        %select_n3A_74 = arith.constant true
        %select_n3A_75 = arith.constant 0 : i32
        %select_n3A_76 = arith.select %select_n3A_74, %add3A_73, %select_n3A_75 : i32
        %while3A = arith.constant 0 : i32
        %while3A_77 = arith.constant 0 : i32
        %while3A_78 = arith.constant 0 : i32
        %while3A_79 = arith.constant 0 : i32
        %while3A_80 = arith.constant 0 : i32
        "tpu.trace_stop"() : () -> ()
        %while3A_81 = arith.subi %mul3A_16, %while3A : i32
        %while3A_82 = arith.addi %while3A, %while3A_81 : i32
        %while3A_83 = arith.constant 1 : i32
        %while3A_84 = arith.divsi %while3A_81, %while3A_83 : i32
        %while3A_85 = arith.muli %while3A_84, %while3A_83 : i32
        %while3A_86 = arith.addi %while3A, %while3A_85 : i32
        %while3A_87 = arith.constant 1 : i32
        %while3A_88:5 = scf.for %while3A_142 = %while3A to %while3A_86 step %while3A_87 iter_args(%while3A_143 = %select_n3A_76, %while3A_144 = %while3A_77, %while3A_145 = %while3A_78, %while3A_146 = %while3A_79, %while3A_147 = %while3A_80) -> (i32, i32, i32, i32, i32)  : i32 {
          %mul3A_148 = arith.constant 1 : i32
          %mul3A_149 = arith.muli %mul3A_148, %select_n3A : i32
          %eq3A_150 = arith.constant 0 : i32
          %eq3A_151 = arith.cmpi eq, %while3A_142, %eq3A_150 : i32
          %sub3A_152 = arith.constant 1 : i32
          %sub3A_153 = arith.subi %mul3A_149, %sub3A_152 : i32
          %eq3A_154 = arith.cmpi eq, %while3A_142, %sub3A_153 : i32
          %add3A_155 = arith.addi %while3A_147, %select_n3A_14 : i32
          %sub3A_156 = arith.constant 1 : i32
          %sub3A_157 = arith.subi %while3A_147, %sub3A_156 : i32
          %select_n3A_158 = arith.constant true
          %select_n3A_159 = arith.select %select_n3A_158, %sub3A_157, %while3A_147 : i32
          %eq3A_160 = arith.constant -1 : i32
          %eq3A_161 = arith.cmpi eq, %select_n3A_159, %eq3A_160 : i32
          %sub3A_162 = arith.constant 1 : i32
          %sub3A_163 = arith.subi %select_n3A, %sub3A_162 : i32
          %select_n3A_164 = arith.select %eq3A_161, %sub3A_163, %select_n3A_159 : i32
          %add3A_165 = arith.addi %select_n3A_164, %select_n3A_14 : i32
          %add3A_166 = arith.constant 1 : i32
          %add3A_167 = arith.addi %while3A_147, %add3A_166 : i32
          %select_n3A_168 = arith.constant true
          %select_n3A_169 = arith.select %select_n3A_168, %add3A_167, %while3A_147 : i32
          %eq3A_170 = arith.cmpi eq, %select_n3A_169, %select_n3A : i32
          %select_n3A_171 = arith.constant 0 : i32
          %select_n3A_172 = arith.select %eq3A_170, %select_n3A_171, %select_n3A_169 : i32
          %add3A_173 = arith.addi %select_n3A_172, %select_n3A_14 : i32
          %add3A_174 = arith.constant 1 : i32
          %add3A_175 = arith.addi %select_n3A_172, %add3A_174 : i32
          %select_n3A_176 = arith.constant true
          %select_n3A_177 = arith.select %select_n3A_176, %add3A_175, %select_n3A_172 : i32
          %eq3A_178 = arith.cmpi eq, %select_n3A_177, %select_n3A : i32
          %select_n3A_179 = arith.constant 0 : i32
          %select_n3A_180 = arith.select %eq3A_178, %select_n3A_179, %select_n3A_177 : i32
          %add3A_181 = arith.addi %select_n3A_180, %select_n3A_14 : i32
          %ne3A = arith.cmpi ne, %add3A_155, %add3A_173 : i32
          %or3A = arith.constant false
          %or3A_182 = arith.ori %or3A, %ne3A : i1
          %or3A_183 = arith.constant false
          %or3A_184 = arith.ori %or3A_182, %or3A_183 : i1
          %sub3A_185 = arith.constant 2 : i32
          %sub3A_186 = arith.subi %mul3A_149, %sub3A_185 : i32
          %add3A_187 = arith.constant 1 : i32
          %add3A_188 = arith.addi %sub3A_186, %add3A_187 : i32
          %ge3A = arith.cmpi sge, %while3A_142, %add3A_188 : i32
          %not3A = arith.constant true
          %not3A_189 = arith.xori %ge3A, %not3A : i1
          %and3A = arith.andi %or3A_184, %not3A_189 : i1
          %convert_element_type3A_190 = arith.extui %and3A : i1 to i32
          %cond3A_191 = arith.constant 0 : i32
          %cond3A_192 = arith.cmpi ne, %convert_element_type3A_190, %cond3A_191 : i32
          scf.if %cond3A_192 {
            "tpu.trace_start"() <{level = 10 : i32, message = "ep_copy_in"}> : () -> ()
            %rem3A_316 = arith.constant 2 : i32
            %rem3A_317 = arith.remui %while3A_143, %rem3A_316 : i32
            %mul3A_318 = arith.constant 200 : i32
            %mul3A_319 = arith.muli %mul3A_318, %add3A_173 : i32
            %dma_start3A_320 = arith.constant 0 : i32
            %dma_start3A_321 = arith.constant 0 : i32
            %dma_start3A_322 = tpu.memref_slice %run_scoped3A[%rem3A_317, %dma_start3A_320, %dma_start3A_321] : memref<2x200x26xf32, #tpu.memory_space<vmem>> -> memref<1x200x26xf32, #tpu.memory_space<vmem>>
            %dma_start3A_323 = tpu.memref_squeeze %dma_start3A_322 : memref<1x200x26xf32, #tpu.memory_space<vmem>> -> memref<200x26xf32, #tpu.memory_space<vmem>>
            %dma_start3A_324 = arith.constant 0 : i32
            %dma_start3A_325 = tpu.memref_slice %arg2[%mul3A_319, %dma_start3A_324] : memref<1000000x26xf32, #tpu.memory_space<hbm>> -> memref<200x26xf32, #tpu.memory_space<hbm>>
            %dma_start3A_326 = tpu.memref_slice %run_scoped3A_17[%rem3A_317] : memref<2x!tpu.dma_semaphore, #tpu.memory_space<semaphore_mem>> -> memref<1x!tpu.dma_semaphore, #tpu.memory_space<semaphore_mem>>
            %dma_start3A_327 = tpu.memref_squeeze %dma_start3A_326 : memref<1x!tpu.dma_semaphore, #tpu.memory_space<semaphore_mem>> -> memref<!tpu.dma_semaphore, #tpu.memory_space<semaphore_mem>>
            %dma_start3A_328 = arith.constant 0 : i32
            %dma_start3A_329 = arith.constant 0 : i32
            %dma_start3A_330 = tpu.memref_slice %run_scoped3A[%rem3A_317, %dma_start3A_328, %dma_start3A_329] : memref<2x200x26xf32, #tpu.memory_space<vmem>> -> memref<1x200x26xf32, #tpu.memory_space<vmem>>
            %dma_start3A_331 = tpu.memref_squeeze %dma_start3A_330 : memref<1x200x26xf32, #tpu.memory_space<vmem>> -> memref<200x26xf32, #tpu.memory_space<vmem>>
            %dma_start3A_332 = arith.constant 0 : i32
            %dma_start3A_333 = tpu.memref_slice %arg2[%mul3A_319, %dma_start3A_332] : memref<1000000x26xf32, #tpu.memory_space<hbm>> -> memref<200x26xf32, #tpu.memory_space<hbm>>
            tpu.enqueue_dma source(%dma_start3A_333 : memref<200x26xf32, #tpu.memory_space<hbm>>) target(%dma_start3A_331 : memref<200x26xf32, #tpu.memory_space<vmem>>) target_semaphore(%dma_start3A_327 : memref<!tpu.dma_semaphore, #tpu.memory_space<semaphore_mem>>)
            "tpu.trace_stop"() : () -> ()
          } else {
          }
          %and3A_193 = arith.constant true
          %and3A_194 = arith.andi %and3A, %and3A_193 : i1
          %add3A_195 = arith.constant 1 : i32
          %add3A_196 = arith.addi %while3A_143, %add3A_195 : i32
          %select_n3A_197 = arith.select %and3A_194, %add3A_196, %while3A_143 : i32
          %ne3A_198 = arith.cmpi ne, %add3A_155, %add3A_173 : i32
          %or3A_199 = arith.constant false
          %or3A_200 = arith.ori %or3A_199, %ne3A_198 : i1
          %or3A_201 = arith.constant false
          %or3A_202 = arith.ori %or3A_200, %or3A_201 : i1
          %sub3A_203 = arith.constant 2 : i32
          %sub3A_204 = arith.subi %mul3A_149, %sub3A_203 : i32
          %add3A_205 = arith.constant 1 : i32
          %add3A_206 = arith.addi %sub3A_204, %add3A_205 : i32
          %ge3A_207 = arith.cmpi sge, %while3A_142, %add3A_206 : i32
          %not3A_208 = arith.constant true
          %not3A_209 = arith.xori %ge3A_207, %not3A_208 : i1
          %and3A_210 = arith.andi %or3A_202, %not3A_209 : i1
          %ne3A_211 = arith.cmpi ne, %add3A_155, %add3A_165 : i32
          %or3A_212 = arith.constant false
          %or3A_213 = arith.ori %or3A_212, %ne3A_211 : i1
          %or3A_214 = arith.constant false
          %or3A_215 = arith.ori %or3A_213, %or3A_214 : i1
          %or3A_216 = arith.ori %or3A_215, %eq3A_151 : i1
          %convert_element_type3A_217 = arith.extui %or3A_216 : i1 to i32
          %cond3A_218 = arith.constant 0 : i32
          %cond3A_219 = arith.cmpi ne, %convert_element_type3A_217, %cond3A_218 : i32
          scf.if %cond3A_219 {
            "tpu.trace_start"() <{level = 10 : i32, message = "ep_wait_in"}> : () -> ()
            %mul3A_316 = arith.constant 200 : i32
            %mul3A_317 = arith.muli %mul3A_316, %add3A_155 : i32
            %rem3A_318 = arith.constant 2 : i32
            %rem3A_319 = arith.remui %while3A_144, %rem3A_318 : i32
            %dma_wait3A = arith.constant 0 : i32
            %dma_wait3A_320 = arith.constant 0 : i32
            %dma_wait3A_321 = tpu.memref_slice %run_scoped3A[%rem3A_319, %dma_wait3A, %dma_wait3A_320] : memref<2x200x26xf32, #tpu.memory_space<vmem>> -> memref<1x200x26xf32, #tpu.memory_space<vmem>>
            %dma_wait3A_322 = tpu.memref_squeeze %dma_wait3A_321 : memref<1x200x26xf32, #tpu.memory_space<vmem>> -> memref<200x26xf32, #tpu.memory_space<vmem>>
            %dma_wait3A_323 = arith.constant 0 : i32
            %dma_wait3A_324 = tpu.memref_slice %arg2[%mul3A_317, %dma_wait3A_323] : memref<1000000x26xf32, #tpu.memory_space<hbm>> -> memref<200x26xf32, #tpu.memory_space<hbm>>
            %dma_wait3A_325 = tpu.memref_slice %run_scoped3A_17[%rem3A_319] : memref<2x!tpu.dma_semaphore, #tpu.memory_space<semaphore_mem>> -> memref<1x!tpu.dma_semaphore, #tpu.memory_space<semaphore_mem>>
            %dma_wait3A_326 = tpu.memref_squeeze %dma_wait3A_325 : memref<1x!tpu.dma_semaphore, #tpu.memory_space<semaphore_mem>> -> memref<!tpu.dma_semaphore, #tpu.memory_space<semaphore_mem>>
            %dma_wait3A_327 = arith.constant 0 : i32
            %dma_wait3A_328 = arith.constant 0 : i32
            %dma_wait3A_329 = tpu.memref_slice %run_scoped3A[%rem3A_319, %dma_wait3A_327, %dma_wait3A_328] : memref<2x200x26xf32, #tpu.memory_space<vmem>> -> memref<1x200x26xf32, #tpu.memory_space<vmem>>
            %dma_wait3A_330 = tpu.memref_squeeze %dma_wait3A_329 : memref<1x200x26xf32, #tpu.memory_space<vmem>> -> memref<200x26xf32, #tpu.memory_space<vmem>>
            %dma_wait3A_331 = arith.constant 0 : i32
            %dma_wait3A_332 = tpu.memref_slice %arg2[%mul3A_317, %dma_wait3A_331] : memref<1000000x26xf32, #tpu.memory_space<hbm>> -> memref<200x26xf32, #tpu.memory_space<hbm>>
            tpu.wait_dma2 semaphore(%dma_wait3A_326 : memref<!tpu.dma_semaphore, #tpu.memory_space<semaphore_mem>>) src(%dma_wait3A_332 : memref<200x26xf32, #tpu.memory_space<hbm>>) dst(%dma_wait3A_330 : memref<200x26xf32, #tpu.memory_space<vmem>>)
            "tpu.trace_stop"() : () -> ()
          } else {
          }
          %ne3A_220 = arith.cmpi ne, %add3A_155, %add3A_165 : i32
          %or3A_221 = arith.constant false
          %or3A_222 = arith.ori %or3A_221, %ne3A_220 : i1
          %or3A_223 = arith.constant false
          %or3A_224 = arith.ori %or3A_222, %or3A_223 : i1
          %or3A_225 = arith.ori %or3A_224, %eq3A_151 : i1
          %convert_element_type3A_226 = arith.extui %or3A_225 : i1 to i32
          %cond3A_227 = arith.constant 0 : i32
          %cond3A_228 = arith.cmpi ne, %convert_element_type3A_226, %cond3A_227 : i32
          scf.if %cond3A_228 {
          } else {
          }
          %rem3A_229 = arith.constant 2 : i32
          %rem3A_230 = arith.remui %while3A_144, %rem3A_229 : i32
          %rem3A_231 = arith.constant 2 : i32
          %rem3A_232 = arith.remui %while3A_145, %rem3A_231 : i32
          "tpu.trace_start"() <{level = 10 : i32, message = "ep_run_kernel"}> : () -> ()
          %get3A = arith.constant 0 : index
          %get3A_233 = tpu.vector_load %arg11[%get3A] {strides = array<i32>} : memref<32xf32, #tpu.memory_space<vmem>>, vector<16xf32>,
          %get3A_234 = arith.constant 0 : index
          %get3A_235 = tpu.vector_load %arg12[%get3A_234] {strides = array<i32>} : memref<32xf32, #tpu.memory_space<vmem>>, vector<16xf32>,
          %get3A_236 = arith.constant 0 : index
          %get3A_237 = tpu.vector_load %arg13[%get3A_236] {strides = array<i32>} : memref<32xi32, #tpu.memory_space<vmem>>, vector<16xi32>,
          %get3A_238 = arith.constant 16 : index
          %get3A_239 = tpu.vector_load %arg11[%get3A_238] {strides = array<i32>} : memref<32xf32, #tpu.memory_space<vmem>>, vector<16xf32>,
          %get3A_240 = arith.constant 16 : index
          %get3A_241 = tpu.vector_load %arg12[%get3A_240] {strides = array<i32>} : memref<32xf32, #tpu.memory_space<vmem>>, vector<16xf32>,
          %get3A_242 = arith.constant 16 : index
          %get3A_243 = tpu.vector_load %arg13[%get3A_242] {strides = array<i32>} : memref<32xi32, #tpu.memory_space<vmem>>, vector<16xi32>,
          %parallel_loop3A = arith.constant 0 : i32
          %parallel_loop3A_244 = arith.constant 200 : i32
          %parallel_loop3A_245 = arith.constant 1 : i32
          scf.for %parallel_loop3A_316 = %parallel_loop3A to %parallel_loop3A_244 step %parallel_loop3A_245  : i32 {
            %parallel_loop3A_317 = arith.constant 0 : i32
            %parallel_loop3A_318 = arith.constant 0 : i32
            %parallel_loop3A_319 = tpu.memref_slice %run_scoped3A[%rem3A_230, %parallel_loop3A_317, %parallel_loop3A_318] : memref<2x200x26xf32, #tpu.memory_space<vmem>> -> memref<1x200x26xf32, #tpu.memory_space<vmem>>
            %parallel_loop3A_320 = tpu.memref_squeeze %parallel_loop3A_319 : memref<1x200x26xf32, #tpu.memory_space<vmem>> -> memref<200x26xf32, #tpu.memory_space<vmem>>
            %parallel_loop3A_321 = arith.index_cast %parallel_loop3A_316 : i32 to index
            %parallel_loop3A_322 = arith.constant 0 : index
            %parallel_loop3A_323 = tpu.vector_load %parallel_loop3A_320[%parallel_loop3A_321, %parallel_loop3A_322] {strides = array<i32>} : memref<200x26xf32, #tpu.memory_space<vmem>>, vector<16xf32>,
            %parallel_loop3A_324 = arith.mulf %parallel_loop3A_323, %get3A_233 : vector<16xf32>
            %parallel_loop3A_325 = arith.addf %parallel_loop3A_324, %get3A_235 : vector<16xf32>
            %parallel_loop3A_326 = arith.fptosi %parallel_loop3A_325 : vector<16xf32> to vector<16xi32>
            %parallel_loop3A_327 = arith.sitofp %parallel_loop3A_326 : vector<16xi32> to vector<16xf32>
            %parallel_loop3A_328 = arith.subf %parallel_loop3A_325, %parallel_loop3A_327 : vector<16xf32>
            %parallel_loop3A_329 = arith.constant 4096 : i32
            %parallel_loop3A_330 = vector.broadcast %parallel_loop3A_329 : i32 to vector<16xi32>
            %parallel_loop3A_331 = arith.maxsi %parallel_loop3A_326, %parallel_loop3A_330 : vector<16xi32>
            %parallel_loop3A_332 = arith.constant 4294 : i32
            %parallel_loop3A_333 = vector.broadcast %parallel_loop3A_332 : i32 to vector<16xi32>
            %parallel_loop3A_334 = arith.minsi %parallel_loop3A_331, %parallel_loop3A_333 : vector<16xi32>
            %parallel_loop3A_335 = arith.addi %parallel_loop3A_334, %get3A_237 : vector<16xi32>
            %parallel_loop3A_336 = tpu.vector_load_idx %arg9[%parallel_loop3A_335] : memref<5200xf32, #tpu.memory_space<vmem>>[vector<16xi32>], vector<16xf32>,
            %parallel_loop3A_337 = tpu.vector_load_idx %arg10[%parallel_loop3A_335] : memref<5200xf32, #tpu.memory_space<vmem>>[vector<16xi32>], vector<16xf32>,
            %parallel_loop3A_338 = arith.mulf %parallel_loop3A_328, %parallel_loop3A_337 : vector<16xf32>
            %parallel_loop3A_339 = arith.addf %parallel_loop3A_336, %parallel_loop3A_338 : vector<16xf32>
            %parallel_loop3A_340 = arith.constant 0 : i32
            %parallel_loop3A_341 = arith.constant 0 : i32
            %parallel_loop3A_342 = tpu.memref_slice %run_scoped3A_18[%rem3A_232, %parallel_loop3A_340, %parallel_loop3A_341] : memref<2x200x26xf32, #tpu.memory_space<vmem>> -> memref<1x200x26xf32, #tpu.memory_space<vmem>>
            %parallel_loop3A_343 = tpu.memref_squeeze %parallel_loop3A_342 : memref<1x200x26xf32, #tpu.memory_space<vmem>> -> memref<200x26xf32, #tpu.memory_space<vmem>>
            %parallel_loop3A_344 = arith.index_cast %parallel_loop3A_316 : i32 to index
            %parallel_loop3A_345 = arith.constant 0 : index
            %parallel_loop3A_346 = tpu.vector_load %parallel_loop3A_343[%parallel_loop3A_344, %parallel_loop3A_345] {strides = array<i32>} : memref<200x26xf32, #tpu.memory_space<vmem>>, vector<16xf32>,
            tpu.vector_store %parallel_loop3A_343[%parallel_loop3A_344, %parallel_loop3A_345], %parallel_loop3A_339 {strides = array<i32>} : memref<200x26xf32, #tpu.memory_space<vmem>>, vector<16xf32>,
            %parallel_loop3A_347 = arith.constant 0 : i32
            %parallel_loop3A_348 = arith.constant 0 : i32
            %parallel_loop3A_349 = tpu.memref_slice %run_scoped3A[%rem3A_230, %parallel_loop3A_347, %parallel_loop3A_348] : memref<2x200x26xf32, #tpu.memory_space<vmem>> -> memref<1x200x26xf32, #tpu.memory_space<vmem>>
            %parallel_loop3A_350 = tpu.memref_squeeze %parallel_loop3A_349 : memref<1x200x26xf32, #tpu.memory_space<vmem>> -> memref<200x26xf32, #tpu.memory_space<vmem>>
            %parallel_loop3A_351 = arith.index_cast %parallel_loop3A_316 : i32 to index
            %parallel_loop3A_352 = arith.constant 10 : index
            %parallel_loop3A_353 = tpu.vector_load %parallel_loop3A_350[%parallel_loop3A_351, %parallel_loop3A_352] {strides = array<i32>} : memref<200x26xf32, #tpu.memory_space<vmem>>, vector<16xf32>,
            %parallel_loop3A_354 = arith.mulf %parallel_loop3A_353, %get3A_239 : vector<16xf32>
            %parallel_loop3A_355 = arith.addf %parallel_loop3A_354, %get3A_241 : vector<16xf32>
            %parallel_loop3A_356 = arith.fptosi %parallel_loop3A_355 : vector<16xf32> to vector<16xi32>
            %parallel_loop3A_357 = arith.sitofp %parallel_loop3A_356 : vector<16xi32> to vector<16xf32>
            %parallel_loop3A_358 = arith.subf %parallel_loop3A_355, %parallel_loop3A_357 : vector<16xf32>
            %parallel_loop3A_359 = arith.constant 4096 : i32
            %parallel_loop3A_360 = vector.broadcast %parallel_loop3A_359 : i32 to vector<16xi32>
            %parallel_loop3A_361 = arith.maxsi %parallel_loop3A_356, %parallel_loop3A_360 : vector<16xi32>
            %parallel_loop3A_362 = arith.constant 4294 : i32
            %parallel_loop3A_363 = vector.broadcast %parallel_loop3A_362 : i32 to vector<16xi32>
            %parallel_loop3A_364 = arith.minsi %parallel_loop3A_361, %parallel_loop3A_363 : vector<16xi32>
            %parallel_loop3A_365 = arith.addi %parallel_loop3A_364, %get3A_243 : vector<16xi32>
            %parallel_loop3A_366 = tpu.vector_load_idx %arg9[%parallel_loop3A_365] : memref<5200xf32, #tpu.memory_space<vmem>>[vector<16xi32>], vector<16xf32>,
            %parallel_loop3A_367 = tpu.vector_load_idx %arg10[%parallel_loop3A_365] : memref<5200xf32, #tpu.memory_space<vmem>>[vector<16xi32>], vector<16xf32>,
            %parallel_loop3A_368 = arith.mulf %parallel_loop3A_358, %parallel_loop3A_367 : vector<16xf32>
            %parallel_loop3A_369 = arith.addf %parallel_loop3A_366, %parallel_loop3A_368 : vector<16xf32>
            %parallel_loop3A_370 = arith.constant 0 : i32
            %parallel_loop3A_371 = arith.constant 0 : i32
            %parallel_loop3A_372 = tpu.memref_slice %run_scoped3A_18[%rem3A_232, %parallel_loop3A_370, %parallel_loop3A_371] : memref<2x200x26xf32, #tpu.memory_space<vmem>> -> memref<1x200x26xf32, #tpu.memory_space<vmem>>
            %parallel_loop3A_373 = tpu.memref_squeeze %parallel_loop3A_372 : memref<1x200x26xf32, #tpu.memory_space<vmem>> -> memref<200x26xf32, #tpu.memory_space<vmem>>
            %parallel_loop3A_374 = arith.index_cast %parallel_loop3A_316 : i32 to index
            %parallel_loop3A_375 = arith.constant 10 : index
            %parallel_loop3A_376 = tpu.vector_load %parallel_loop3A_373[%parallel_loop3A_374, %parallel_loop3A_375] {strides = array<i32>} : memref<200x26xf32, #tpu.memory_space<vmem>>, vector<16xf32>,
            tpu.vector_store %parallel_loop3A_373[%parallel_loop3A_374, %parallel_loop3A_375], %parallel_loop3A_369 {strides = array<i32>} : memref<200x26xf32, #tpu.memory_space<vmem>>, vector<16xf32>,
          } {sc.loop_unroll_factor = 8 : i64, sc.parallel_access}
          "tpu.trace_stop"() : () -> ()
          %ne3A_246 = arith.cmpi ne, %add3A_155, %add3A_173 : i32
          %or3A_247 = arith.constant false
          %or3A_248 = arith.ori %or3A_247, %ne3A_246 : i1
          %or3A_249 = arith.constant false
          %or3A_250 = arith.ori %or3A_248, %or3A_249 : i1
          %or3A_251 = arith.ori %or3A_250, %eq3A_154 : i1
          %convert_element_type3A_252 = arith.extui %or3A_251 : i1 to i32
          %cond3A_253 = arith.constant 0 : i32
          %cond3A_254 = arith.cmpi ne, %convert_element_type3A_252, %cond3A_253 : i32
          scf.if %cond3A_254 {
          } else {
          }
          %and3A_255 = arith.constant false
          %and3A_256 = arith.andi %or3A_251, %and3A_255 : i1
          %ne3A_257 = arith.cmpi ne, %add3A_155, %add3A_173 : i32
          %or3A_258 = arith.constant false
          %or3A_259 = arith.ori %or3A_258, %ne3A_257 : i1
          %or3A_260 = arith.constant false
          %or3A_261 = arith.ori %or3A_259, %or3A_260 : i1
          %or3A_262 = arith.ori %or3A_261, %eq3A_154 : i1
          %convert_element_type3A_263 = arith.extui %or3A_262 : i1 to i32
          %cond3A_264 = arith.constant 0 : i32
          %cond3A_265 = arith.cmpi ne, %convert_element_type3A_263, %cond3A_264 : i32
          scf.if %cond3A_265 {
            "tpu.trace_start"() <{level = 10 : i32, message = "ep_copy_out"}> : () -> ()
            %rem3A_316 = arith.constant 2 : i32
            %rem3A_317 = arith.remui %while3A_145, %rem3A_316 : i32
            %mul3A_318 = arith.constant 200 : i32
            %mul3A_319 = arith.muli %mul3A_318, %add3A_155 : i32
            %dma_start3A_320 = arith.constant 0 : i32
            %dma_start3A_321 = arith.constant 0 : i32
            %dma_start3A_322 = tpu.memref_slice %run_scoped3A_18[%rem3A_317, %dma_start3A_320, %dma_start3A_321] : memref<2x200x26xf32, #tpu.memory_space<vmem>> -> memref<1x200x26xf32, #tpu.memory_space<vmem>>
            %dma_start3A_323 = tpu.memref_squeeze %dma_start3A_322 : memref<1x200x26xf32, #tpu.memory_space<vmem>> -> memref<200x26xf32, #tpu.memory_space<vmem>>
            %dma_start3A_324 = arith.constant 0 : i32
            %dma_start3A_325 = tpu.memref_slice %arg8[%mul3A_319, %dma_start3A_324] : memref<1000000x26xf32, #tpu.memory_space<hbm>> -> memref<200x26xf32, #tpu.memory_space<hbm>>
            %dma_start3A_326 = tpu.memref_slice %run_scoped3A_19[%rem3A_317] : memref<2x!tpu.dma_semaphore, #tpu.memory_space<semaphore_mem>> -> memref<1x!tpu.dma_semaphore, #tpu.memory_space<semaphore_mem>>
            %dma_start3A_327 = tpu.memref_squeeze %dma_start3A_326 : memref<1x!tpu.dma_semaphore, #tpu.memory_space<semaphore_mem>> -> memref<!tpu.dma_semaphore, #tpu.memory_space<semaphore_mem>>
            %dma_start3A_328 = arith.constant 0 : i32
            %dma_start3A_329 = tpu.memref_slice %arg8[%mul3A_319, %dma_start3A_328] : memref<1000000x26xf32, #tpu.memory_space<hbm>> -> memref<200x26xf32, #tpu.memory_space<hbm>>
            %dma_start3A_330 = arith.constant 0 : i32
            %dma_start3A_331 = arith.constant 0 : i32
            %dma_start3A_332 = tpu.memref_slice %run_scoped3A_18[%rem3A_317, %dma_start3A_330, %dma_start3A_331] : memref<2x200x26xf32, #tpu.memory_space<vmem>> -> memref<1x200x26xf32, #tpu.memory_space<vmem>>
            %dma_start3A_333 = tpu.memref_squeeze %dma_start3A_332 : memref<1x200x26xf32, #tpu.memory_space<vmem>> -> memref<200x26xf32, #tpu.memory_space<vmem>>
            tpu.enqueue_dma source(%dma_start3A_333 : memref<200x26xf32, #tpu.memory_space<vmem>>) target(%dma_start3A_329 : memref<200x26xf32, #tpu.memory_space<hbm>>) target_semaphore(%dma_start3A_327 : memref<!tpu.dma_semaphore, #tpu.memory_space<semaphore_mem>>)
            "tpu.trace_stop"() : () -> ()
          } else {
          }
          %and3A_266 = arith.constant true
          %and3A_267 = arith.andi %or3A_262, %and3A_266 : i1
          %add3A_268 = arith.constant 1 : i32
          %add3A_269 = arith.addi %while3A_145, %add3A_268 : i32
          %select_n3A_270 = arith.select %and3A_267, %add3A_269, %while3A_145 : i32
          %ne3A_271 = arith.cmpi ne, %add3A_155, %add3A_165 : i32
          %or3A_272 = arith.constant false
          %or3A_273 = arith.ori %or3A_272, %ne3A_271 : i1
          %or3A_274 = arith.constant false
          %or3A_275 = arith.ori %or3A_273, %or3A_274 : i1
          %not3A_276 = arith.constant true
          %not3A_277 = arith.xori %eq3A_151, %not3A_276 : i1
          %and3A_278 = arith.andi %or3A_275, %not3A_277 : i1
          %convert_element_type3A_279 = arith.extui %and3A_278 : i1 to i32
          %cond3A_280 = arith.constant 0 : i32
          %cond3A_281 = arith.cmpi ne, %convert_element_type3A_279, %cond3A_280 : i32
          scf.if %cond3A_281 {
          } else {
          }
          %and3A_282 = arith.constant false
          %and3A_283 = arith.andi %and3A_278, %and3A_282 : i1
          %ne3A_284 = arith.cmpi ne, %add3A_155, %add3A_165 : i32
          %or3A_285 = arith.constant false
          %or3A_286 = arith.ori %or3A_285, %ne3A_284 : i1
          %or3A_287 = arith.constant false
          %or3A_288 = arith.ori %or3A_286, %or3A_287 : i1
          %not3A_289 = arith.constant true
          %not3A_290 = arith.xori %eq3A_151, %not3A_289 : i1
          %and3A_291 = arith.andi %or3A_288, %not3A_290 : i1
          %convert_element_type3A_292 = arith.extui %and3A_291 : i1 to i32
          %cond3A_293 = arith.constant 0 : i32
          %cond3A_294 = arith.cmpi ne, %convert_element_type3A_292, %cond3A_293 : i32
          scf.if %cond3A_294 {
            "tpu.trace_start"() <{level = 10 : i32, message = "ep_wait_out"}> : () -> ()
            %rem3A_316 = arith.constant 2 : i32
            %rem3A_317 = arith.remui %while3A_146, %rem3A_316 : i32
            %mul3A_318 = arith.constant 200 : i32
            %mul3A_319 = arith.muli %mul3A_318, %add3A_165 : i32
            %dma_wait3A = arith.constant 0 : i32
            %dma_wait3A_320 = arith.constant 0 : i32
            %dma_wait3A_321 = tpu.memref_slice %run_scoped3A_18[%rem3A_317, %dma_wait3A, %dma_wait3A_320] : memref<2x200x26xf32, #tpu.memory_space<vmem>> -> memref<1x200x26xf32, #tpu.memory_space<vmem>>
            %dma_wait3A_322 = tpu.memref_squeeze %dma_wait3A_321 : memref<1x200x26xf32, #tpu.memory_space<vmem>> -> memref<200x26xf32, #tpu.memory_space<vmem>>
            %dma_wait3A_323 = arith.constant 0 : i32
            %dma_wait3A_324 = tpu.memref_slice %arg8[%mul3A_319, %dma_wait3A_323] : memref<1000000x26xf32, #tpu.memory_space<hbm>> -> memref<200x26xf32, #tpu.memory_space<hbm>>
            %dma_wait3A_325 = tpu.memref_slice %run_scoped3A_19[%rem3A_317] : memref<2x!tpu.dma_semaphore, #tpu.memory_space<semaphore_mem>> -> memref<1x!tpu.dma_semaphore, #tpu.memory_space<semaphore_mem>>
            %dma_wait3A_326 = tpu.memref_squeeze %dma_wait3A_325 : memref<1x!tpu.dma_semaphore, #tpu.memory_space<semaphore_mem>> -> memref<!tpu.dma_semaphore, #tpu.memory_space<semaphore_mem>>
            %dma_wait3A_327 = arith.constant 0 : i32
            %dma_wait3A_328 = tpu.memref_slice %arg8[%mul3A_319, %dma_wait3A_327] : memref<1000000x26xf32, #tpu.memory_space<hbm>> -> memref<200x26xf32, #tpu.memory_space<hbm>>
            %dma_wait3A_329 = arith.constant 0 : i32
            %dma_wait3A_330 = arith.constant 0 : i32
            %dma_wait3A_331 = tpu.memref_slice %run_scoped3A_18[%rem3A_317, %dma_wait3A_329, %dma_wait3A_330] : memref<2x200x26xf32, #tpu.memory_space<vmem>> -> memref<1x200x26xf32, #tpu.memory_space<vmem>>
            %dma_wait3A_332 = tpu.memref_squeeze %dma_wait3A_331 : memref<1x200x26xf32, #tpu.memory_space<vmem>> -> memref<200x26xf32, #tpu.memory_space<vmem>>
            tpu.wait_dma2 semaphore(%dma_wait3A_326 : memref<!tpu.dma_semaphore, #tpu.memory_space<semaphore_mem>>) src(%dma_wait3A_332 : memref<200x26xf32, #tpu.memory_space<vmem>>) dst(%dma_wait3A_328 : memref<200x26xf32, #tpu.memory_space<hbm>>)
            "tpu.trace_stop"() : () -> ()
          } else {
          }
          %and3A_295 = arith.constant true
          %and3A_296 = arith.andi %and3A_291, %and3A_295 : i1
          %add3A_297 = arith.constant 1 : i32
          %add3A_298 = arith.addi %while3A_146, %add3A_297 : i32
          %select_n3A_299 = arith.select %and3A_296, %add3A_298, %while3A_146 : i32
          %ne3A_300 = arith.cmpi ne, %add3A_155, %add3A_173 : i32
          %or3A_301 = arith.constant false
          %or3A_302 = arith.ori %or3A_301, %ne3A_300 : i1
          %or3A_303 = arith.constant false
          %or3A_304 = arith.ori %or3A_302, %or3A_303 : i1
          %or3A_305 = arith.ori %or3A_304, %eq3A_154 : i1
          %add3A_306 = arith.constant 1 : i32
          %add3A_307 = arith.addi %while3A_144, %add3A_306 : i32
          %select_n3A_308 = arith.select %or3A_305, %add3A_307, %while3A_144 : i32
          %add3A_309 = arith.constant 1 : i32
          %add3A_310 = arith.addi %while3A_147, %add3A_309 : i32
          %select_n3A_311 = arith.constant true
          %select_n3A_312 = arith.select %select_n3A_311, %add3A_310, %while3A_147 : i32
          %eq3A_313 = arith.cmpi eq, %select_n3A_312, %select_n3A : i32
          %select_n3A_314 = arith.constant 0 : i32
          %select_n3A_315 = arith.select %eq3A_313, %select_n3A_314, %select_n3A_312 : i32
          scf.yield %select_n3A_197, %select_n3A_308, %select_n3A_270, %select_n3A_299, %select_n3A_315 : i32, i32, i32, i32, i32
        }
        %while3A_89 = arith.constant 1 : i32
        %while3A_90:5 = scf.for %while3A_142 = %while3A_86 to %while3A_82 step %while3A_89 iter_args(%while3A_143 = %while3A_88#0, %while3A_144 = %while3A_88#1, %while3A_145 = %while3A_88#2, %while3A_146 = %while3A_88#3, %while3A_147 = %while3A_88#4) -> (i32, i32, i32, i32, i32)  : i32 {
          %mul3A_148 = arith.constant 1 : i32
          %mul3A_149 = arith.muli %mul3A_148, %select_n3A : i32
          %eq3A_150 = arith.constant 0 : i32
          %eq3A_151 = arith.cmpi eq, %while3A_142, %eq3A_150 : i32
          %sub3A_152 = arith.constant 1 : i32
          %sub3A_153 = arith.subi %mul3A_149, %sub3A_152 : i32
          %eq3A_154 = arith.cmpi eq, %while3A_142, %sub3A_153 : i32
          %add3A_155 = arith.addi %while3A_147, %select_n3A_14 : i32
          %sub3A_156 = arith.constant 1 : i32
          %sub3A_157 = arith.subi %while3A_147, %sub3A_156 : i32
          %select_n3A_158 = arith.constant true
          %select_n3A_159 = arith.select %select_n3A_158, %sub3A_157, %while3A_147 : i32
          %eq3A_160 = arith.constant -1 : i32
          %eq3A_161 = arith.cmpi eq, %select_n3A_159, %eq3A_160 : i32
          %sub3A_162 = arith.constant 1 : i32
          %sub3A_163 = arith.subi %select_n3A, %sub3A_162 : i32
          %select_n3A_164 = arith.select %eq3A_161, %sub3A_163, %select_n3A_159 : i32
          %add3A_165 = arith.addi %select_n3A_164, %select_n3A_14 : i32
          %add3A_166 = arith.constant 1 : i32
          %add3A_167 = arith.addi %while3A_147, %add3A_166 : i32
          %select_n3A_168 = arith.constant true
          %select_n3A_169 = arith.select %select_n3A_168, %add3A_167, %while3A_147 : i32
          %eq3A_170 = arith.cmpi eq, %select_n3A_169, %select_n3A : i32
          %select_n3A_171 = arith.constant 0 : i32
          %select_n3A_172 = arith.select %eq3A_170, %select_n3A_171, %select_n3A_169 : i32
          %add3A_173 = arith.addi %select_n3A_172, %select_n3A_14 : i32
          %add3A_174 = arith.constant 1 : i32
          %add3A_175 = arith.addi %select_n3A_172, %add3A_174 : i32
          %select_n3A_176 = arith.constant true
          %select_n3A_177 = arith.select %select_n3A_176, %add3A_175, %select_n3A_172 : i32
          %eq3A_178 = arith.cmpi eq, %select_n3A_177, %select_n3A : i32
          %select_n3A_179 = arith.constant 0 : i32
          %select_n3A_180 = arith.select %eq3A_178, %select_n3A_179, %select_n3A_177 : i32
          %add3A_181 = arith.addi %select_n3A_180, %select_n3A_14 : i32
          %ne3A = arith.cmpi ne, %add3A_155, %add3A_173 : i32
          %or3A = arith.constant false
          %or3A_182 = arith.ori %or3A, %ne3A : i1
          %or3A_183 = arith.constant false
          %or3A_184 = arith.ori %or3A_182, %or3A_183 : i1
          %sub3A_185 = arith.constant 2 : i32
          %sub3A_186 = arith.subi %mul3A_149, %sub3A_185 : i32
          %add3A_187 = arith.constant 1 : i32
          %add3A_188 = arith.addi %sub3A_186, %add3A_187 : i32
          %ge3A = arith.cmpi sge, %while3A_142, %add3A_188 : i32
          %not3A = arith.constant true
          %not3A_189 = arith.xori %ge3A, %not3A : i1
          %and3A = arith.andi %or3A_184, %not3A_189 : i1
          %convert_element_type3A_190 = arith.extui %and3A : i1 to i32
          %cond3A_191 = arith.constant 0 : i32
          %cond3A_192 = arith.cmpi ne, %convert_element_type3A_190, %cond3A_191 : i32
          scf.if %cond3A_192 {
            "tpu.trace_start"() <{level = 10 : i32, message = "ep_copy_in"}> : () -> ()
            %rem3A_316 = arith.constant 2 : i32
            %rem3A_317 = arith.remui %while3A_143, %rem3A_316 : i32
            %mul3A_318 = arith.constant 200 : i32
            %mul3A_319 = arith.muli %mul3A_318, %add3A_173 : i32
            %dma_start3A_320 = arith.constant 0 : i32
            %dma_start3A_321 = arith.constant 0 : i32
            %dma_start3A_322 = tpu.memref_slice %run_scoped3A[%rem3A_317, %dma_start3A_320, %dma_start3A_321] : memref<2x200x26xf32, #tpu.memory_space<vmem>> -> memref<1x200x26xf32, #tpu.memory_space<vmem>>
            %dma_start3A_323 = tpu.memref_squeeze %dma_start3A_322 : memref<1x200x26xf32, #tpu.memory_space<vmem>> -> memref<200x26xf32, #tpu.memory_space<vmem>>
            %dma_start3A_324 = arith.constant 0 : i32
            %dma_start3A_325 = tpu.memref_slice %arg2[%mul3A_319, %dma_start3A_324] : memref<1000000x26xf32, #tpu.memory_space<hbm>> -> memref<200x26xf32, #tpu.memory_space<hbm>>
            %dma_start3A_326 = tpu.memref_slice %run_scoped3A_17[%rem3A_317] : memref<2x!tpu.dma_semaphore, #tpu.memory_space<semaphore_mem>> -> memref<1x!tpu.dma_semaphore, #tpu.memory_space<semaphore_mem>>
            %dma_start3A_327 = tpu.memref_squeeze %dma_start3A_326 : memref<1x!tpu.dma_semaphore, #tpu.memory_space<semaphore_mem>> -> memref<!tpu.dma_semaphore, #tpu.memory_space<semaphore_mem>>
            %dma_start3A_328 = arith.constant 0 : i32
            %dma_start3A_329 = arith.constant 0 : i32
            %dma_start3A_330 = tpu.memref_slice %run_scoped3A[%rem3A_317, %dma_start3A_328, %dma_start3A_329] : memref<2x200x26xf32, #tpu.memory_space<vmem>> -> memref<1x200x26xf32, #tpu.memory_space<vmem>>
            %dma_start3A_331 = tpu.memref_squeeze %dma_start3A_330 : memref<1x200x26xf32, #tpu.memory_space<vmem>> -> memref<200x26xf32, #tpu.memory_space<vmem>>
            %dma_start3A_332 = arith.constant 0 : i32
            %dma_start3A_333 = tpu.memref_slice %arg2[%mul3A_319, %dma_start3A_332] : memref<1000000x26xf32, #tpu.memory_space<hbm>> -> memref<200x26xf32, #tpu.memory_space<hbm>>
            tpu.enqueue_dma source(%dma_start3A_333 : memref<200x26xf32, #tpu.memory_space<hbm>>) target(%dma_start3A_331 : memref<200x26xf32, #tpu.memory_space<vmem>>) target_semaphore(%dma_start3A_327 : memref<!tpu.dma_semaphore, #tpu.memory_space<semaphore_mem>>)
            "tpu.trace_stop"() : () -> ()
          } else {
          }
          %and3A_193 = arith.constant true
          %and3A_194 = arith.andi %and3A, %and3A_193 : i1
          %add3A_195 = arith.constant 1 : i32
          %add3A_196 = arith.addi %while3A_143, %add3A_195 : i32
          %select_n3A_197 = arith.select %and3A_194, %add3A_196, %while3A_143 : i32
          %ne3A_198 = arith.cmpi ne, %add3A_155, %add3A_173 : i32
          %or3A_199 = arith.constant false
          %or3A_200 = arith.ori %or3A_199, %ne3A_198 : i1
          %or3A_201 = arith.constant false
          %or3A_202 = arith.ori %or3A_200, %or3A_201 : i1
          %sub3A_203 = arith.constant 2 : i32
          %sub3A_204 = arith.subi %mul3A_149, %sub3A_203 : i32
          %add3A_205 = arith.constant 1 : i32
          %add3A_206 = arith.addi %sub3A_204, %add3A_205 : i32
          %ge3A_207 = arith.cmpi sge, %while3A_142, %add3A_206 : i32
          %not3A_208 = arith.constant true
          %not3A_209 = arith.xori %ge3A_207, %not3A_208 : i1
          %and3A_210 = arith.andi %or3A_202, %not3A_209 : i1
          %ne3A_211 = arith.cmpi ne, %add3A_155, %add3A_165 : i32
          %or3A_212 = arith.constant false
          %or3A_213 = arith.ori %or3A_212, %ne3A_211 : i1
          %or3A_214 = arith.constant false
          %or3A_215 = arith.ori %or3A_213, %or3A_214 : i1
          %or3A_216 = arith.ori %or3A_215, %eq3A_151 : i1
          %convert_element_type3A_217 = arith.extui %or3A_216 : i1 to i32
          %cond3A_218 = arith.constant 0 : i32
          %cond3A_219 = arith.cmpi ne, %convert_element_type3A_217, %cond3A_218 : i32
          scf.if %cond3A_219 {
            "tpu.trace_start"() <{level = 10 : i32, message = "ep_wait_in"}> : () -> ()
            %mul3A_316 = arith.constant 200 : i32
            %mul3A_317 = arith.muli %mul3A_316, %add3A_155 : i32
            %rem3A_318 = arith.constant 2 : i32
            %rem3A_319 = arith.remui %while3A_144, %rem3A_318 : i32
            %dma_wait3A = arith.constant 0 : i32
            %dma_wait3A_320 = arith.constant 0 : i32
            %dma_wait3A_321 = tpu.memref_slice %run_scoped3A[%rem3A_319, %dma_wait3A, %dma_wait3A_320] : memref<2x200x26xf32, #tpu.memory_space<vmem>> -> memref<1x200x26xf32, #tpu.memory_space<vmem>>
            %dma_wait3A_322 = tpu.memref_squeeze %dma_wait3A_321 : memref<1x200x26xf32, #tpu.memory_space<vmem>> -> memref<200x26xf32, #tpu.memory_space<vmem>>
            %dma_wait3A_323 = arith.constant 0 : i32
            %dma_wait3A_324 = tpu.memref_slice %arg2[%mul3A_317, %dma_wait3A_323] : memref<1000000x26xf32, #tpu.memory_space<hbm>> -> memref<200x26xf32, #tpu.memory_space<hbm>>
            %dma_wait3A_325 = tpu.memref_slice %run_scoped3A_17[%rem3A_319] : memref<2x!tpu.dma_semaphore, #tpu.memory_space<semaphore_mem>> -> memref<1x!tpu.dma_semaphore, #tpu.memory_space<semaphore_mem>>
            %dma_wait3A_326 = tpu.memref_squeeze %dma_wait3A_325 : memref<1x!tpu.dma_semaphore, #tpu.memory_space<semaphore_mem>> -> memref<!tpu.dma_semaphore, #tpu.memory_space<semaphore_mem>>
            %dma_wait3A_327 = arith.constant 0 : i32
            %dma_wait3A_328 = arith.constant 0 : i32
            %dma_wait3A_329 = tpu.memref_slice %run_scoped3A[%rem3A_319, %dma_wait3A_327, %dma_wait3A_328] : memref<2x200x26xf32, #tpu.memory_space<vmem>> -> memref<1x200x26xf32, #tpu.memory_space<vmem>>
            %dma_wait3A_330 = tpu.memref_squeeze %dma_wait3A_329 : memref<1x200x26xf32, #tpu.memory_space<vmem>> -> memref<200x26xf32, #tpu.memory_space<vmem>>
            %dma_wait3A_331 = arith.constant 0 : i32
            %dma_wait3A_332 = tpu.memref_slice %arg2[%mul3A_317, %dma_wait3A_331] : memref<1000000x26xf32, #tpu.memory_space<hbm>> -> memref<200x26xf32, #tpu.memory_space<hbm>>
            tpu.wait_dma2 semaphore(%dma_wait3A_326 : memref<!tpu.dma_semaphore, #tpu.memory_space<semaphore_mem>>) src(%dma_wait3A_332 : memref<200x26xf32, #tpu.memory_space<hbm>>) dst(%dma_wait3A_330 : memref<200x26xf32, #tpu.memory_space<vmem>>)
            "tpu.trace_stop"() : () -> ()
          } else {
          }
          %ne3A_220 = arith.cmpi ne, %add3A_155, %add3A_165 : i32
          %or3A_221 = arith.constant false
          %or3A_222 = arith.ori %or3A_221, %ne3A_220 : i1
          %or3A_223 = arith.constant false
          %or3A_224 = arith.ori %or3A_222, %or3A_223 : i1
          %or3A_225 = arith.ori %or3A_224, %eq3A_151 : i1
          %convert_element_type3A_226 = arith.extui %or3A_225 : i1 to i32
          %cond3A_227 = arith.constant 0 : i32
          %cond3A_228 = arith.cmpi ne, %convert_element_type3A_226, %cond3A_227 : i32
          scf.if %cond3A_228 {
          } else {
          }
          %rem3A_229 = arith.constant 2 : i32
          %rem3A_230 = arith.remui %while3A_144, %rem3A_229 : i32
          %rem3A_231 = arith.constant 2 : i32
          %rem3A_232 = arith.remui %while3A_145, %rem3A_231 : i32
          "tpu.trace_start"() <{level = 10 : i32, message = "ep_run_kernel"}> : () -> ()
          %get3A = arith.constant 0 : index
          %get3A_233 = tpu.vector_load %arg11[%get3A] {strides = array<i32>} : memref<32xf32, #tpu.memory_space<vmem>>, vector<16xf32>,
          %get3A_234 = arith.constant 0 : index
          %get3A_235 = tpu.vector_load %arg12[%get3A_234] {strides = array<i32>} : memref<32xf32, #tpu.memory_space<vmem>>, vector<16xf32>,
          %get3A_236 = arith.constant 0 : index
          %get3A_237 = tpu.vector_load %arg13[%get3A_236] {strides = array<i32>} : memref<32xi32, #tpu.memory_space<vmem>>, vector<16xi32>,
          %get3A_238 = arith.constant 16 : index
          %get3A_239 = tpu.vector_load %arg11[%get3A_238] {strides = array<i32>} : memref<32xf32, #tpu.memory_space<vmem>>, vector<16xf32>,
          %get3A_240 = arith.constant 16 : index
          %get3A_241 = tpu.vector_load %arg12[%get3A_240] {strides = array<i32>} : memref<32xf32, #tpu.memory_space<vmem>>, vector<16xf32>,
          %get3A_242 = arith.constant 16 : index
          %get3A_243 = tpu.vector_load %arg13[%get3A_242] {strides = array<i32>} : memref<32xi32, #tpu.memory_space<vmem>>, vector<16xi32>,
          %parallel_loop3A = arith.constant 0 : i32
          %parallel_loop3A_244 = arith.constant 200 : i32
          %parallel_loop3A_245 = arith.constant 1 : i32
          scf.for %parallel_loop3A_316 = %parallel_loop3A to %parallel_loop3A_244 step %parallel_loop3A_245  : i32 {
            %parallel_loop3A_317 = arith.constant 0 : i32
            %parallel_loop3A_318 = arith.constant 0 : i32
            %parallel_loop3A_319 = tpu.memref_slice %run_scoped3A[%rem3A_230, %parallel_loop3A_317, %parallel_loop3A_318] : memref<2x200x26xf32, #tpu.memory_space<vmem>> -> memref<1x200x26xf32, #tpu.memory_space<vmem>>
            %parallel_loop3A_320 = tpu.memref_squeeze %parallel_loop3A_319 : memref<1x200x26xf32, #tpu.memory_space<vmem>> -> memref<200x26xf32, #tpu.memory_space<vmem>>
            %parallel_loop3A_321 = arith.index_cast %parallel_loop3A_316 : i32 to index
            %parallel_loop3A_322 = arith.constant 0 : index
            %parallel_loop3A_323 = tpu.vector_load %parallel_loop3A_320[%parallel_loop3A_321, %parallel_loop3A_322] {strides = array<i32>} : memref<200x26xf32, #tpu.memory_space<vmem>>, vector<16xf32>,
            %parallel_loop3A_324 = arith.mulf %parallel_loop3A_323, %get3A_233 : vector<16xf32>
            %parallel_loop3A_325 = arith.addf %parallel_loop3A_324, %get3A_235 : vector<16xf32>
            %parallel_loop3A_326 = arith.fptosi %parallel_loop3A_325 : vector<16xf32> to vector<16xi32>
            %parallel_loop3A_327 = arith.sitofp %parallel_loop3A_326 : vector<16xi32> to vector<16xf32>
            %parallel_loop3A_328 = arith.subf %parallel_loop3A_325, %parallel_loop3A_327 : vector<16xf32>
            %parallel_loop3A_329 = arith.constant 4096 : i32
            %parallel_loop3A_330 = vector.broadcast %parallel_loop3A_329 : i32 to vector<16xi32>
            %parallel_loop3A_331 = arith.maxsi %parallel_loop3A_326, %parallel_loop3A_330 : vector<16xi32>
            %parallel_loop3A_332 = arith.constant 4294 : i32
            %parallel_loop3A_333 = vector.broadcast %parallel_loop3A_332 : i32 to vector<16xi32>
            %parallel_loop3A_334 = arith.minsi %parallel_loop3A_331, %parallel_loop3A_333 : vector<16xi32>
            %parallel_loop3A_335 = arith.addi %parallel_loop3A_334, %get3A_237 : vector<16xi32>
            %parallel_loop3A_336 = tpu.vector_load_idx %arg9[%parallel_loop3A_335] : memref<5200xf32, #tpu.memory_space<vmem>>[vector<16xi32>], vector<16xf32>,
            %parallel_loop3A_337 = tpu.vector_load_idx %arg10[%parallel_loop3A_335] : memref<5200xf32, #tpu.memory_space<vmem>>[vector<16xi32>], vector<16xf32>,
            %parallel_loop3A_338 = arith.mulf %parallel_loop3A_328, %parallel_loop3A_337 : vector<16xf32>
            %parallel_loop3A_339 = arith.addf %parallel_loop3A_336, %parallel_loop3A_338 : vector<16xf32>
            %parallel_loop3A_340 = arith.constant 0 : i32
            %parallel_loop3A_341 = arith.constant 0 : i32
            %parallel_loop3A_342 = tpu.memref_slice %run_scoped3A_18[%rem3A_232, %parallel_loop3A_340, %parallel_loop3A_341] : memref<2x200x26xf32, #tpu.memory_space<vmem>> -> memref<1x200x26xf32, #tpu.memory_space<vmem>>
            %parallel_loop3A_343 = tpu.memref_squeeze %parallel_loop3A_342 : memref<1x200x26xf32, #tpu.memory_space<vmem>> -> memref<200x26xf32, #tpu.memory_space<vmem>>
            %parallel_loop3A_344 = arith.index_cast %parallel_loop3A_316 : i32 to index
            %parallel_loop3A_345 = arith.constant 0 : index
            %parallel_loop3A_346 = tpu.vector_load %parallel_loop3A_343[%parallel_loop3A_344, %parallel_loop3A_345] {strides = array<i32>} : memref<200x26xf32, #tpu.memory_space<vmem>>, vector<16xf32>,
            tpu.vector_store %parallel_loop3A_343[%parallel_loop3A_344, %parallel_loop3A_345], %parallel_loop3A_339 {strides = array<i32>} : memref<200x26xf32, #tpu.memory_space<vmem>>, vector<16xf32>,
            %parallel_loop3A_347 = arith.constant 0 : i32
            %parallel_loop3A_348 = arith.constant 0 : i32
            %parallel_loop3A_349 = tpu.memref_slice %run_scoped3A[%rem3A_230, %parallel_loop3A_347, %parallel_loop3A_348] : memref<2x200x26xf32, #tpu.memory_space<vmem>> -> memref<1x200x26xf32, #tpu.memory_space<vmem>>
            %parallel_loop3A_350 = tpu.memref_squeeze %parallel_loop3A_349 : memref<1x200x26xf32, #tpu.memory_space<vmem>> -> memref<200x26xf32, #tpu.memory_space<vmem>>
            %parallel_loop3A_351 = arith.index_cast %parallel_loop3A_316 : i32 to index
            %parallel_loop3A_352 = arith.constant 10 : index
            %parallel_loop3A_353 = tpu.vector_load %parallel_loop3A_350[%parallel_loop3A_351, %parallel_loop3A_352] {strides = array<i32>} : memref<200x26xf32, #tpu.memory_space<vmem>>, vector<16xf32>,
            %parallel_loop3A_354 = arith.mulf %parallel_loop3A_353, %get3A_239 : vector<16xf32>
            %parallel_loop3A_355 = arith.addf %parallel_loop3A_354, %get3A_241 : vector<16xf32>
            %parallel_loop3A_356 = arith.fptosi %parallel_loop3A_355 : vector<16xf32> to vector<16xi32>
            %parallel_loop3A_357 = arith.sitofp %parallel_loop3A_356 : vector<16xi32> to vector<16xf32>
            %parallel_loop3A_358 = arith.subf %parallel_loop3A_355, %parallel_loop3A_357 : vector<16xf32>
            %parallel_loop3A_359 = arith.constant 4096 : i32
            %parallel_loop3A_360 = vector.broadcast %parallel_loop3A_359 : i32 to vector<16xi32>
            %parallel_loop3A_361 = arith.maxsi %parallel_loop3A_356, %parallel_loop3A_360 : vector<16xi32>
            %parallel_loop3A_362 = arith.constant 4294 : i32
            %parallel_loop3A_363 = vector.broadcast %parallel_loop3A_362 : i32 to vector<16xi32>
            %parallel_loop3A_364 = arith.minsi %parallel_loop3A_361, %parallel_loop3A_363 : vector<16xi32>
            %parallel_loop3A_365 = arith.addi %parallel_loop3A_364, %get3A_243 : vector<16xi32>
            %parallel_loop3A_366 = tpu.vector_load_idx %arg9[%parallel_loop3A_365] : memref<5200xf32, #tpu.memory_space<vmem>>[vector<16xi32>], vector<16xf32>,
            %parallel_loop3A_367 = tpu.vector_load_idx %arg10[%parallel_loop3A_365] : memref<5200xf32, #tpu.memory_space<vmem>>[vector<16xi32>], vector<16xf32>,
            %parallel_loop3A_368 = arith.mulf %parallel_loop3A_358, %parallel_loop3A_367 : vector<16xf32>
            %parallel_loop3A_369 = arith.addf %parallel_loop3A_366, %parallel_loop3A_368 : vector<16xf32>
            %parallel_loop3A_370 = arith.constant 0 : i32
            %parallel_loop3A_371 = arith.constant 0 : i32
            %parallel_loop3A_372 = tpu.memref_slice %run_scoped3A_18[%rem3A_232, %parallel_loop3A_370, %parallel_loop3A_371] : memref<2x200x26xf32, #tpu.memory_space<vmem>> -> memref<1x200x26xf32, #tpu.memory_space<vmem>>
            %parallel_loop3A_373 = tpu.memref_squeeze %parallel_loop3A_372 : memref<1x200x26xf32, #tpu.memory_space<vmem>> -> memref<200x26xf32, #tpu.memory_space<vmem>>
            %parallel_loop3A_374 = arith.index_cast %parallel_loop3A_316 : i32 to index
            %parallel_loop3A_375 = arith.constant 10 : index
            %parallel_loop3A_376 = tpu.vector_load %parallel_loop3A_373[%parallel_loop3A_374, %parallel_loop3A_375] {strides = array<i32>} : memref<200x26xf32, #tpu.memory_space<vmem>>, vector<16xf32>,
            tpu.vector_store %parallel_loop3A_373[%parallel_loop3A_374, %parallel_loop3A_375], %parallel_loop3A_369 {strides = array<i32>} : memref<200x26xf32, #tpu.memory_space<vmem>>, vector<16xf32>,
          } {sc.loop_unroll_factor = 8 : i64, sc.parallel_access}
          "tpu.trace_stop"() : () -> ()
          %ne3A_246 = arith.cmpi ne, %add3A_155, %add3A_173 : i32
          %or3A_247 = arith.constant false
          %or3A_248 = arith.ori %or3A_247, %ne3A_246 : i1
          %or3A_249 = arith.constant false
          %or3A_250 = arith.ori %or3A_248, %or3A_249 : i1
          %or3A_251 = arith.ori %or3A_250, %eq3A_154 : i1
          %convert_element_type3A_252 = arith.extui %or3A_251 : i1 to i32
          %cond3A_253 = arith.constant 0 : i32
          %cond3A_254 = arith.cmpi ne, %convert_element_type3A_252, %cond3A_253 : i32
          scf.if %cond3A_254 {
          } else {
          }
          %and3A_255 = arith.constant false
          %and3A_256 = arith.andi %or3A_251, %and3A_255 : i1
          %ne3A_257 = arith.cmpi ne, %add3A_155, %add3A_173 : i32
          %or3A_258 = arith.constant false
          %or3A_259 = arith.ori %or3A_258, %ne3A_257 : i1
          %or3A_260 = arith.constant false
          %or3A_261 = arith.ori %or3A_259, %or3A_260 : i1
          %or3A_262 = arith.ori %or3A_261, %eq3A_154 : i1
          %convert_element_type3A_263 = arith.extui %or3A_262 : i1 to i32
          %cond3A_264 = arith.constant 0 : i32
          %cond3A_265 = arith.cmpi ne, %convert_element_type3A_263, %cond3A_264 : i32
          scf.if %cond3A_265 {
            "tpu.trace_start"() <{level = 10 : i32, message = "ep_copy_out"}> : () -> ()
            %rem3A_316 = arith.constant 2 : i32
            %rem3A_317 = arith.remui %while3A_145, %rem3A_316 : i32
            %mul3A_318 = arith.constant 200 : i32
            %mul3A_319 = arith.muli %mul3A_318, %add3A_155 : i32
            %dma_start3A_320 = arith.constant 0 : i32
            %dma_start3A_321 = arith.constant 0 : i32
            %dma_start3A_322 = tpu.memref_slice %run_scoped3A_18[%rem3A_317, %dma_start3A_320, %dma_start3A_321] : memref<2x200x26xf32, #tpu.memory_space<vmem>> -> memref<1x200x26xf32, #tpu.memory_space<vmem>>
            %dma_start3A_323 = tpu.memref_squeeze %dma_start3A_322 : memref<1x200x26xf32, #tpu.memory_space<vmem>> -> memref<200x26xf32, #tpu.memory_space<vmem>>
            %dma_start3A_324 = arith.constant 0 : i32
            %dma_start3A_325 = tpu.memref_slice %arg8[%mul3A_319, %dma_start3A_324] : memref<1000000x26xf32, #tpu.memory_space<hbm>> -> memref<200x26xf32, #tpu.memory_space<hbm>>
            %dma_start3A_326 = tpu.memref_slice %run_scoped3A_19[%rem3A_317] : memref<2x!tpu.dma_semaphore, #tpu.memory_space<semaphore_mem>> -> memref<1x!tpu.dma_semaphore, #tpu.memory_space<semaphore_mem>>
            %dma_start3A_327 = tpu.memref_squeeze %dma_start3A_326 : memref<1x!tpu.dma_semaphore, #tpu.memory_space<semaphore_mem>> -> memref<!tpu.dma_semaphore, #tpu.memory_space<semaphore_mem>>
            %dma_start3A_328 = arith.constant 0 : i32
            %dma_start3A_329 = tpu.memref_slice %arg8[%mul3A_319, %dma_start3A_328] : memref<1000000x26xf32, #tpu.memory_space<hbm>> -> memref<200x26xf32, #tpu.memory_space<hbm>>
            %dma_start3A_330 = arith.constant 0 : i32
            %dma_start3A_331 = arith.constant 0 : i32
            %dma_start3A_332 = tpu.memref_slice %run_scoped3A_18[%rem3A_317, %dma_start3A_330, %dma_start3A_331] : memref<2x200x26xf32, #tpu.memory_space<vmem>> -> memref<1x200x26xf32, #tpu.memory_space<vmem>>
            %dma_start3A_333 = tpu.memref_squeeze %dma_start3A_332 : memref<1x200x26xf32, #tpu.memory_space<vmem>> -> memref<200x26xf32, #tpu.memory_space<vmem>>
            tpu.enqueue_dma source(%dma_start3A_333 : memref<200x26xf32, #tpu.memory_space<vmem>>) target(%dma_start3A_329 : memref<200x26xf32, #tpu.memory_space<hbm>>) target_semaphore(%dma_start3A_327 : memref<!tpu.dma_semaphore, #tpu.memory_space<semaphore_mem>>)
            "tpu.trace_stop"() : () -> ()
          } else {
          }
          %and3A_266 = arith.constant true
          %and3A_267 = arith.andi %or3A_262, %and3A_266 : i1
          %add3A_268 = arith.constant 1 : i32
          %add3A_269 = arith.addi %while3A_145, %add3A_268 : i32
          %select_n3A_270 = arith.select %and3A_267, %add3A_269, %while3A_145 : i32
          %ne3A_271 = arith.cmpi ne, %add3A_155, %add3A_165 : i32
          %or3A_272 = arith.constant false
          %or3A_273 = arith.ori %or3A_272, %ne3A_271 : i1
          %or3A_274 = arith.constant false
          %or3A_275 = arith.ori %or3A_273, %or3A_274 : i1
          %not3A_276 = arith.constant true
          %not3A_277 = arith.xori %eq3A_151, %not3A_276 : i1
          %and3A_278 = arith.andi %or3A_275, %not3A_277 : i1
          %convert_element_type3A_279 = arith.extui %and3A_278 : i1 to i32
          %cond3A_280 = arith.constant 0 : i32
          %cond3A_281 = arith.cmpi ne, %convert_element_type3A_279, %cond3A_280 : i32
          scf.if %cond3A_281 {
          } else {
          }
          %and3A_282 = arith.constant false
          %and3A_283 = arith.andi %and3A_278, %and3A_282 : i1
          %ne3A_284 = arith.cmpi ne, %add3A_155, %add3A_165 : i32
          %or3A_285 = arith.constant false
          %or3A_286 = arith.ori %or3A_285, %ne3A_284 : i1
          %or3A_287 = arith.constant false
          %or3A_288 = arith.ori %or3A_286, %or3A_287 : i1
          %not3A_289 = arith.constant true
          %not3A_290 = arith.xori %eq3A_151, %not3A_289 : i1
          %and3A_291 = arith.andi %or3A_288, %not3A_290 : i1
          %convert_element_type3A_292 = arith.extui %and3A_291 : i1 to i32
          %cond3A_293 = arith.constant 0 : i32
          %cond3A_294 = arith.cmpi ne, %convert_element_type3A_292, %cond3A_293 : i32
          scf.if %cond3A_294 {
            "tpu.trace_start"() <{level = 10 : i32, message = "ep_wait_out"}> : () -> ()
            %rem3A_316 = arith.constant 2 : i32
            %rem3A_317 = arith.remui %while3A_146, %rem3A_316 : i32
            %mul3A_318 = arith.constant 200 : i32
            %mul3A_319 = arith.muli %mul3A_318, %add3A_165 : i32
            %dma_wait3A = arith.constant 0 : i32
            %dma_wait3A_320 = arith.constant 0 : i32
            %dma_wait3A_321 = tpu.memref_slice %run_scoped3A_18[%rem3A_317, %dma_wait3A, %dma_wait3A_320] : memref<2x200x26xf32, #tpu.memory_space<vmem>> -> memref<1x200x26xf32, #tpu.memory_space<vmem>>
            %dma_wait3A_322 = tpu.memref_squeeze %dma_wait3A_321 : memref<1x200x26xf32, #tpu.memory_space<vmem>> -> memref<200x26xf32, #tpu.memory_space<vmem>>
            %dma_wait3A_323 = arith.constant 0 : i32
            %dma_wait3A_324 = tpu.memref_slice %arg8[%mul3A_319, %dma_wait3A_323] : memref<1000000x26xf32, #tpu.memory_space<hbm>> -> memref<200x26xf32, #tpu.memory_space<hbm>>
            %dma_wait3A_325 = tpu.memref_slice %run_scoped3A_19[%rem3A_317] : memref<2x!tpu.dma_semaphore, #tpu.memory_space<semaphore_mem>> -> memref<1x!tpu.dma_semaphore, #tpu.memory_space<semaphore_mem>>
            %dma_wait3A_326 = tpu.memref_squeeze %dma_wait3A_325 : memref<1x!tpu.dma_semaphore, #tpu.memory_space<semaphore_mem>> -> memref<!tpu.dma_semaphore, #tpu.memory_space<semaphore_mem>>
            %dma_wait3A_327 = arith.constant 0 : i32
            %dma_wait3A_328 = tpu.memref_slice %arg8[%mul3A_319, %dma_wait3A_327] : memref<1000000x26xf32, #tpu.memory_space<hbm>> -> memref<200x26xf32, #tpu.memory_space<hbm>>
            %dma_wait3A_329 = arith.constant 0 : i32
            %dma_wait3A_330 = arith.constant 0 : i32
            %dma_wait3A_331 = tpu.memref_slice %run_scoped3A_18[%rem3A_317, %dma_wait3A_329, %dma_wait3A_330] : memref<2x200x26xf32, #tpu.memory_space<vmem>> -> memref<1x200x26xf32, #tpu.memory_space<vmem>>
            %dma_wait3A_332 = tpu.memref_squeeze %dma_wait3A_331 : memref<1x200x26xf32, #tpu.memory_space<vmem>> -> memref<200x26xf32, #tpu.memory_space<vmem>>
            tpu.wait_dma2 semaphore(%dma_wait3A_326 : memref<!tpu.dma_semaphore, #tpu.memory_space<semaphore_mem>>) src(%dma_wait3A_332 : memref<200x26xf32, #tpu.memory_space<vmem>>) dst(%dma_wait3A_328 : memref<200x26xf32, #tpu.memory_space<hbm>>)
            "tpu.trace_stop"() : () -> ()
          } else {
          }
          %and3A_295 = arith.constant true
          %and3A_296 = arith.andi %and3A_291, %and3A_295 : i1
          %add3A_297 = arith.constant 1 : i32
          %add3A_298 = arith.addi %while3A_146, %add3A_297 : i32
          %select_n3A_299 = arith.select %and3A_296, %add3A_298, %while3A_146 : i32
          %ne3A_300 = arith.cmpi ne, %add3A_155, %add3A_173 : i32
          %or3A_301 = arith.constant false
          %or3A_302 = arith.ori %or3A_301, %ne3A_300 : i1
          %or3A_303 = arith.constant false
          %or3A_304 = arith.ori %or3A_302, %or3A_303 : i1
          %or3A_305 = arith.ori %or3A_304, %eq3A_154 : i1
          %add3A_306 = arith.constant 1 : i32
          %add3A_307 = arith.addi %while3A_144, %add3A_306 : i32
          %select_n3A_308 = arith.select %or3A_305, %add3A_307, %while3A_144 : i32
          %add3A_309 = arith.constant 1 : i32
          %add3A_310 = arith.addi %while3A_147, %add3A_309 : i32
          %select_n3A_311 = arith.constant true
          %select_n3A_312 = arith.select %select_n3A_311, %add3A_310, %while3A_147 : i32
          %eq3A_313 = arith.cmpi eq, %select_n3A_312, %select_n3A : i32
          %select_n3A_314 = arith.constant 0 : i32
          %select_n3A_315 = arith.select %eq3A_313, %select_n3A_314, %select_n3A_312 : i32
          scf.yield %select_n3A_197, %select_n3A_308, %select_n3A_270, %select_n3A_299, %select_n3A_315 : i32, i32, i32, i32, i32
        }
        %sub3A_91 = arith.constant 1 : i32
        %sub3A_92 = arith.subi %while3A_90#4, %sub3A_91 : i32
        %select_n3A_93 = arith.constant true
        %select_n3A_94 = arith.select %select_n3A_93, %sub3A_92, %while3A_90#4 : i32
        %eq3A_95 = arith.constant -1 : i32
        %eq3A_96 = arith.cmpi eq, %select_n3A_94, %eq3A_95 : i32
        %sub3A_97 = arith.constant 1 : i32
        %sub3A_98 = arith.subi %select_n3A, %sub3A_97 : i32
        %select_n3A_99 = arith.select %eq3A_96, %sub3A_98, %select_n3A_94 : i32
        %sub3A_100 = arith.constant 1 : i32
        %sub3A_101 = arith.subi %mul3A_16, %sub3A_100 : i32
        %mul3A_102 = arith.constant 1 : i32
        %mul3A_103 = arith.muli %mul3A_102, %select_n3A : i32
        %eq3A_104 = arith.constant 0 : i32
        %eq3A_105 = arith.cmpi eq, %sub3A_101, %eq3A_104 : i32
        %sub3A_106 = arith.constant 1 : i32
        %sub3A_107 = arith.subi %mul3A_103, %sub3A_106 : i32
        %eq3A_108 = arith.cmpi eq, %sub3A_101, %sub3A_107 : i32
        %add3A_109 = arith.addi %select_n3A_99, %select_n3A_14 : i32
        %sub3A_110 = arith.constant 1 : i32
        %sub3A_111 = arith.subi %select_n3A_99, %sub3A_110 : i32
        %select_n3A_112 = arith.constant true
        %select_n3A_113 = arith.select %select_n3A_112, %sub3A_111, %select_n3A_99 : i32
        %eq3A_114 = arith.constant -1 : i32
        %eq3A_115 = arith.cmpi eq, %select_n3A_113, %eq3A_114 : i32
        %sub3A_116 = arith.constant 1 : i32
        %sub3A_117 = arith.subi %select_n3A, %sub3A_116 : i32
        %select_n3A_118 = arith.select %eq3A_115, %sub3A_117, %select_n3A_113 : i32
        %add3A_119 = arith.addi %select_n3A_118, %select_n3A_14 : i32
        %add3A_120 = arith.constant 1 : i32
        %add3A_121 = arith.addi %select_n3A_99, %add3A_120 : i32
        %select_n3A_122 = arith.constant true
        %select_n3A_123 = arith.select %select_n3A_122, %add3A_121, %select_n3A_99 : i32
        %eq3A_124 = arith.cmpi eq, %select_n3A_123, %select_n3A : i32
        %select_n3A_125 = arith.constant 0 : i32
        %select_n3A_126 = arith.select %eq3A_124, %select_n3A_125, %select_n3A_123 : i32
        %add3A_127 = arith.addi %select_n3A_126, %select_n3A_14 : i32
        %add3A_128 = arith.constant 1 : i32
        %add3A_129 = arith.addi %select_n3A_126, %add3A_128 : i32
        %select_n3A_130 = arith.constant true
        %select_n3A_131 = arith.select %select_n3A_130, %add3A_129, %select_n3A_126 : i32
        %eq3A_132 = arith.cmpi eq, %select_n3A_131, %select_n3A : i32
        %select_n3A_133 = arith.constant 0 : i32
        %select_n3A_134 = arith.select %eq3A_132, %select_n3A_133, %select_n3A_131 : i32
        %add3A_135 = arith.addi %select_n3A_134, %select_n3A_14 : i32
        %convert_element_type3A_136 = arith.extui %eq3A_108 : i1 to i32
        %cond3A_137 = arith.constant 0 : i32
        %cond3A_138 = arith.cmpi ne, %convert_element_type3A_136, %cond3A_137 : i32
        scf.if %cond3A_138 {
        } else {
        }
        %convert_element_type3A_139 = arith.extui %eq3A_108 : i1 to i32
        %cond3A_140 = arith.constant 0 : i32
        %cond3A_141 = arith.cmpi ne, %convert_element_type3A_139, %cond3A_140 : i32
        scf.if %cond3A_141 {
          "tpu.trace_start"() <{level = 10 : i32, message = "ep_finalize"}> : () -> ()
          %rem3A_142 = arith.constant 2 : i32
          %rem3A_143 = arith.remui %while3A_90#3, %rem3A_142 : i32
          %mul3A_144 = arith.constant 200 : i32
          %mul3A_145 = arith.muli %mul3A_144, %add3A_109 : i32
          %dma_wait3A = arith.constant 0 : i32
          %dma_wait3A_146 = arith.constant 0 : i32
          %dma_wait3A_147 = tpu.memref_slice %run_scoped3A_18[%rem3A_143, %dma_wait3A, %dma_wait3A_146] : memref<2x200x26xf32, #tpu.memory_space<vmem>> -> memref<1x200x26xf32, #tpu.memory_space<vmem>>
          %dma_wait3A_148 = tpu.memref_squeeze %dma_wait3A_147 : memref<1x200x26xf32, #tpu.memory_space<vmem>> -> memref<200x26xf32, #tpu.memory_space<vmem>>
          %dma_wait3A_149 = arith.constant 0 : i32
          %dma_wait3A_150 = tpu.memref_slice %arg8[%mul3A_145, %dma_wait3A_149] : memref<1000000x26xf32, #tpu.memory_space<hbm>> -> memref<200x26xf32, #tpu.memory_space<hbm>>
          %dma_wait3A_151 = tpu.memref_slice %run_scoped3A_19[%rem3A_143] : memref<2x!tpu.dma_semaphore, #tpu.memory_space<semaphore_mem>> -> memref<1x!tpu.dma_semaphore, #tpu.memory_space<semaphore_mem>>
          %dma_wait3A_152 = tpu.memref_squeeze %dma_wait3A_151 : memref<1x!tpu.dma_semaphore, #tpu.memory_space<semaphore_mem>> -> memref<!tpu.dma_semaphore, #tpu.memory_space<semaphore_mem>>
          %dma_wait3A_153 = arith.constant 0 : i32
          %dma_wait3A_154 = tpu.memref_slice %arg8[%mul3A_145, %dma_wait3A_153] : memref<1000000x26xf32, #tpu.memory_space<hbm>> -> memref<200x26xf32, #tpu.memory_space<hbm>>
          %dma_wait3A_155 = arith.constant 0 : i32
          %dma_wait3A_156 = arith.constant 0 : i32
          %dma_wait3A_157 = tpu.memref_slice %run_scoped3A_18[%rem3A_143, %dma_wait3A_155, %dma_wait3A_156] : memref<2x200x26xf32, #tpu.memory_space<vmem>> -> memref<1x200x26xf32, #tpu.memory_space<vmem>>
          %dma_wait3A_158 = tpu.memref_squeeze %dma_wait3A_157 : memref<1x200x26xf32, #tpu.memory_space<vmem>> -> memref<200x26xf32, #tpu.memory_space<vmem>>
          tpu.wait_dma2 semaphore(%dma_wait3A_152 : memref<!tpu.dma_semaphore, #tpu.memory_space<semaphore_mem>>) src(%dma_wait3A_158 : memref<200x26xf32, #tpu.memory_space<vmem>>) dst(%dma_wait3A_154 : memref<200x26xf32, #tpu.memory_space<hbm>>)
          "tpu.trace_stop"() : () -> ()
        } else {
        }
      } else {
      }
      tpu.yield
    }) : () -> ()
    return
  }
}

</mosaic_0001>

<sc_bundles>
// kernel: kernel.3.cloned.1.call-start
scs
__scs_entry_jumppad:
0x0: {  	(pc) =	sbr.rel $0x88, $3  }
0x1: {  	(tag) =	ssettag $0x0;
	lr =	simm.s32 $0x1  }
0x2: {  	[smem:$0x3F9E] =	sst lr;
	_ =	strace $0xD0000000  }
0x3: {  	_ = 	snop  }
0x4: {  	_ = 	snop  }
0x5: {  	_ = 	snop  }
0x6: {  	_ = 	snop  }
0x7: {  	_ = 	snop  }
__scs_overlays_trampoline_lowered:
0x8: {  	[smem:$0x3FAD] =	sst s0  }
0x9: {  	[smem:$0x3FAE] =	sst s1  }
0xa: {  	[smem:$0x3FAF] =	sst s2  }
0xb: {  	[smem:$0x3FB0] =	sst s3  }
0xc: {  	[smem:$0x3FB1] =	sst s4  }
0xd: {  	[smem:$0x3FB2] =	sst s5  }
0xe: {  	[smem:$0x3FB3] =	sst s6  }
0xf: {  	[smem:$0x3FB4] =	sst s7  }
0x10: {  	[smem:$0x3FB5] =	sst s8  }
0x11: {  	[smem:$0x3FB6] =	sst s9;
	s0 =	simm.s32 @!p0 $0x0  }
0x12: {  	s1 =	sld [smem:$0x3F9C];
	s0 =	simm.s32 @p0 $0x1  }
0x13: {  	[smem:$0x3FB7] =	sst s0;
	s0 =	simm.s32 @!p1 $0x0  }
0x14: {  	s2 =	sld [smem:$0x3F9B];
	s0 =	simm.s32 @p1 $0x1  }
0x15: {  	[smem:$0x3FB8] =	sst s0;
	s0 =	simm.s32 @!p2 $0x0  }
0x16: {  	s3 =	sld [smem:$0x3FDB];
	s0 =	simm.s32 @p2 $0x1  }
0x17: {  	s4 =	simm.s32 $0x1BF5;
	[smem:$0x3FBA] =	sst s0  }
0x18: {  	s0 =	sld [smem:$0x3F9D];
	_ =	swait.ge [sflag:s4], $0x0  }
0x19: {  	s7 =	sld [smem:$0x3F9E]  }
0x1a: {  	s8 =	sadd.s32 $0xFFFFE003, lr  }
0x1b: {  	s9 =	sadd.s32 $0xFFFFFEF7, lr;
	s5 =	simm.s32 $0xFFFFFFFF;
	p2 =	slt.u32 s8, $0xFFFFF086  }
0x1c: {  	p1 =	slt.u32 s9, $0xF7A;
	s5 =	simm.s32 @!p2 $0x0  }
0x1d: {  	s5 =	simm.s32 @p1 $0x1;
	p0 =	seq.s32 s7, s2  }
0x1e: {  	s7 =	smul.u32 @!p0 $0xF7A, s2;
	p2 =	seq.s32 @!p0 s5, $0x0  }
0x1f: {  	s9 =	smul.u32 $0xF7A, s1;
	s8 =	simm.s32 @!p0 $0x1BF5;
	p2 =	por !p2, p0  }
0x20: {  	[sflag:s8] =	ssyncset.s32 @!p0 $0xFFFFF086;
	s6 =	sadd.s32 @!p0 s3, s7;
	s7 =	simm.s32 @!p0 $0x108  }
0x21: {  	s3 =	sadd.s32 s3, s9;
	s6 =	sadd.s32 @!p0 $0x88, s6;
	s7 =	simm.s32 @p2 $0x1082  }
0x22: {  	[simem:s7], [sflag:s8] =	dma.local @!p0 [hbm:s6], $0xF7A  }
0x23: {  	s9 =	sor.u32 $0xD0000000, s2;
	s6 =	simm.s32 $0x108;
	_ =	swait.ge @!p0 [sflag:s8], $0x0  }
0x24: {  	s3 =	sadd.s32 $0x88, s3;
	s6 =	simm.s32 @!p1 $0x1082;
	[sflag:s4] =	ssyncset.s32 $0xFFFFF086  }
0x25: {  	[simem:s6], [sflag:s4] =	dma.local [hbm:s3], $0xF7A  }
0x26: {  	[smem:$0x3F9E] =	sst s1;
	(tag) =	ssettag s2;
	_ =	strace s9  }
0x27: {  	s1 =	sld [smem:$0x3FAE]  }
0x28: {  	s2 =	sld [smem:$0x3FAF]  }
0x29: {  	s4 =	sld [smem:$0x3FB1]  }
0x2a: {  	p0 =	seq.s32 s5, $0x0;
	s5 =	sld [smem:$0x3FB2]  }
0x2b: {  	s6 =	sld [smem:$0x3FB3]  }
0x2c: {  	s7 =	sld [smem:$0x3FB4]  }
0x2d: {  	s3 =	simm.s32 $0x108;
	s8 =	sld [smem:$0x3FB5]  }
0x2e: {  	s3 =	simm.s32 @!p0 $0x1082;
	s9 =	sld [smem:$0x3FB6]  }
0x2f: {  	lr =	sadd.s32 s0, s3;
	s0 =	sld [smem:$0x3FAD]  }
0x30: {  	s3 =	sld [smem:$0x3FB0]  }
0x31: {  	[smem:$0x3FB9] =	sst s10  }
0x32: {  	s10 =	sld [smem:$0x3FB7];
	_ =	sdelay $0x3  }
0x33: {  	p0 =	seq.s32 s10, $0x1;
	s10 =	sld [smem:$0x3FB9];
	_ =	sdelay $0x3  }
0x34: {  	[smem:$0x3FB9] =	sst s10  }
0x35: {  	s10 =	sld [smem:$0x3FB8];
	_ =	sdelay $0x3  }
0x36: {  	p1 =	seq.s32 s10, $0x1;
	s10 =	sld [smem:$0x3FB9];
	_ =	sdelay $0x3  }
0x37: {  	[smem:$0x3FB9] =	sst s10  }
0x38: {  	s10 =	sld [smem:$0x3FBA]  }
0x39: {  	_ = 	snop;
	(pc) =	sbr.ind lr, $3  }
0x3a: {  	_ = 	snop  }
0x3b: {  	_ = 	snop  }
0x3c: {  	p2 =	seq.s32 s10, $0x1;
	s10 =	sld [smem:$0x3FB9]  }
0x3d: {  	_ =	shalt  }
0x3e: {  	_ =	shalt  }
0x3f: {  	_ =	shalt  }
0x40: {  	_ =	shalt  }
0x41: {  	_ =	shalt  }
0x42: {  	_ =	shalt  }
0x43: {  	_ =	shalt  }
0x44: {  	_ =	shalt  }
0x45: {  	_ =	shalt  }
0x46: {  	_ =	shalt  }
0x47: {  	_ =	shalt  }
0x48: {  	_ =	shalt  }
0x49: {  	_ =	shalt  }
0x4a: {  	_ =	shalt  }
0x4b: {  	_ =	shalt  }
0x4c: {  	_ =	shalt  }
0x4d: {  	_ =	shalt  }
0x4e: {  	_ =	shalt  }
0x4f: {  	_ =	shalt  }
0x50: {  	_ =	shalt  }
0x51: {  	_ =	shalt  }
0x52: {  	_ =	shalt  }
0x53: {  	_ =	shalt  }
0x54: {  	_ =	shalt  }
0x55: {  	_ =	shalt  }
0x56: {  	_ =	shalt  }
0x57: {  	_ =	shalt  }
0x58: {  	_ =	shalt  }
0x59: {  	_ =	shalt  }
0x5a: {  	_ =	shalt  }
0x5b: {  	_ =	shalt  }
0x5c: {  	_ =	shalt  }
0x5d: {  	_ =	shalt  }
0x5e: {  	_ =	shalt  }
0x5f: {  	_ =	shalt  }
0x60: {  	_ =	shalt  }
0x61: {  	_ =	shalt  }
0x62: {  	_ =	shalt  }
0x63: {  	_ =	shalt  }
0x64: {  	_ =	shalt  }
0x65: {  	_ =	shalt  }
0x66: {  	_ =	shalt  }
0x67: {  	_ =	shalt  }
0x68: {  	_ =	shalt  }
0x69: {  	_ =	shalt  }
0x6a: {  	_ =	shalt  }
0x6b: {  	_ =	shalt  }
0x6c: {  	_ =	shalt  }
0x6d: {  	_ =	shalt  }
0x6e: {  	_ =	shalt  }
0x6f: {  	_ =	shalt  }
0x70: {  	_ =	shalt  }
0x71: {  	_ =	shalt  }
0x72: {  	_ =	shalt  }
0x73: {  	_ =	shalt  }
0x74: {  	_ =	shalt  }
0x75: {  	_ =	shalt  }
0x76: {  	_ =	shalt  }
0x77: {  	_ =	shalt  }
0x78: {  	_ =	shalt  }
0x79: {  	_ =	shalt  }
0x7a: {  	_ =	shalt  }
0x7b: {  	_ =	shalt  }
0x7c: {  	_ =	shalt  }
0x7d: {  	_ =	shalt  }
0x7e: {  	_ =	shalt  }
0x7f: {  	_ =	shalt  }
0x80: {  	_ =	shalt  }
0x81: {  	_ =	shalt  }
0x82: {  	_ =	shalt  }
0x83: {  	_ =	shalt  }
0x84: {  	_ =	shalt  }
0x85: {  	_ =	shalt  }
0x86: {  	_ =	shalt  }
0x87: {  	_ =	shalt  }
.Lfunc_end0:
.L_simem_size_0:
called_computation_lowered:
.L_overlay_start_0:
0x88: {  	s2 =	sld [smem:$0x3FD9]  }
0x89: {  	s3 =	sld [smem:$0x3FFE];
	_ =	sdelay $0x1  }
0x8a: {  	s1 =	srdreg.scid  }
0x8b: {  	s0 =	sand.u32 $0x1, s1  }
0x8c: {  	s17 =	sshll.u32 s0, $0xA;
	s2 =	sadd.s32 s3, s2  }
0x8d: {  	s2 =	sadd.s32 s2, s17  }
0x8e: {  	[smem:$0x3FC5] =	sst s2  }
0x8f: {  	_ = 	snop  }
0x90: {  	s2 =	sld [smem:$0x3FD0];
	(tm) =	ssettm $0x1  }
0x91: {  	s18 =	sld [smem:$0x3FFB];
	_ =	sdelay $0x3  }
0x92: {  	_ =	strace s18  }
0x93: {  	s3 =	sld [smem:$0x3FFC];
	_ =	sdelay $0x3  }
0x94: {  	_ =	strace s3  }
0x95: {  	s3 =	sld [smem:$0x3FFD];
	_ =	sdelay $0x3  }
0x96: {  	_ =	strace s3  }
0x97: {  	_ =	strace $0x8FFFFFFF  }
0x98: {  	s19 =	sld [smem:$0x3FDB];
	_ =	sdelay $0x1  }
0x99: {  	s4 =	simm.s32 $_scs_section_size  }
0x9a: {  	s5 =	simm.s32 $_size__tile_overlayer_lowered;
	s6 =	simm.s32 $_tile_overlayer_lowered  }
0x9b: {  	s22 =	simm.s32 $0x1BFF;
	s21 =	sshll.u32 s6, $0x1;
	s3 =	sadd.s32 s4, s19  }
0x9c: {  	s7 =	simm.s32 $0x0;
	s20 =	sshll.u32 s5, $0x1;
	s5 =	sadd.s32 s21, s3  }
0x9d: {  	[timem:s7], [sflag:s22] =	dma.local [hbm:s5], s20  }
0x9e: {  	_ =	swait.ge [sflag:s22], s20  }
0x9f: {  	s4 =	ssub.s32 $0x0, s20;
	[sflag:s22] =	ssyncset.done $0x0  }
0xa0: {  	[sflag:s22] =	ssyncadd.s32 s4;
	_ =	sdelay $0x1  }
0xa1: {  	s23 =	simm.s32 $0x1B8B  }
0xa2: {  	_ =	swait.ge [sflag:s23], $0x1  }
0xa3: {  	[sflag:s23] =	ssyncset.done $0x0  }
0xa4: {  	s25 =	simm.s32 $0x1B8E;
	s24 =	sld [smem:$0x3FFE];
	[sflag:s23] =	ssyncadd.s32 $0xFFFFFFFF  }
0xa5: {  	s26 =	simm.s32 $execute0_lowered;
	[smem:$0x3FD2] =	sst s25  }
0xa6: {  	s5 =	sshll.u32 s26, $0x1;
	_ =	strace $0x80000046;
	[dreg:$0x1] =	wrdreg $0xFFFFFFFF  }
0xa7: {  	s28 =	simm.s32 $_size_execute0_lowered;
	s3 =	sadd.s32 s3, s5;
	[dreg:$0x0] =	wrdreg $0x0  }
0xa8: {  	s5 =	sshll.u32 s28, $0x1;
	[dreg:$0x2] =	wrdreg s3  }
0xa9: {  	[dreg:$0x3] =	wrdreg s5  }
0xaa: {  	[dreg:$0x4] =	wrdreg $0xC0  }
0xab: {  	_ =	task [dreg:s7], $0x5FFFF  }
0xac: {  	[dreg:$0x1] =	wrdreg $0xFFFFFFFF  }
0xad: {  	[dreg:$0x0] =	wrdreg $0x60  }
0xae: {  	[dreg:$0x2] =	wrdreg s24  }
0xaf: {  	[dreg:$0x3] =	wrdreg s2  }
0xb0: {  	[dreg:$0x4] =	wrdreg $0x9  }
0xb1: {  	_ =	task.clear_ibuf [dreg:s7], $0x5FFFF;
	_ =	strace $0x90000046  }
0xb2: {  	s29 =	simm.s32 $0x9;
	_ =	strace $0x8000004F  }
0xb3: {  	_ =	swait.ge [sflag:s29], $0x1  }
0xb4: {  	[sflag:s29] =	ssyncadd.s32 $0xFFFFFFFF  }
0xb5: {  	_ =	strace $0x9000004F  }
0xb6: {  	_ =	sfence  }
0xb7: {  	s30 =	sld [smem:$0x0];
	_ =	sdelay $0x2  }
0xb8: {  	s31 =	sshll.u32 s1, $0xD;
	s1 =	sshrl.u32 s1, $0x2  }
0xb9: {  	s3 =	sand.u32 $0x4000, s31;
	s1 =	sadd.s32 s1, s30  }
0xba: {  	s0 =	sor.u32 s3, s0;
	s1 =	sshll.u32 s1, $0x11  }
0xbb: {  	s0 =	sor.u32 s1, s0  }
0xbc: {  	s0 =	sadd.s32 $0x8F2B, s0  }
0xbd: {  	[sflag:s0] =	ssyncadd.remote.s32 $0x1  }
0xbe: {  	_ =	sfence.sel $0xFFFF  }
0xbf: {  	[dreg:$0x0] =	wrdreg $0xFFFFFFFF;
	(pc) =	sbr.abs _section_cstart, $3  }
0xc0: {  	[dreg:$0x1] =	wrdreg $0xFFFFFFFF  }
0xc1: {  	_ =	task.clear_ibuf [dreg:s7], $0x2FFFF;
	_ =	strace $0x9FFFFFFF  }
0xc2: {  	(tm) =	ssettm $0x7FFFFFFF  }
0xc3: {  	_ =	shalt  }
tec
execute0_lowered:
.L_overlay_start_1:
0x0: {  	(tag) =	ssettag $0x1  }
0x1: {  	s0 =	srdreg.scid  }
0x2: {  	s1 =	rddreg [dreg:$0x0];
	s4 =	stileid.u32;
	s3 =	simm.s32 $0x0  }
0x3: {  	s11 =	simm.s32 $0x9D;
	s15 =	simm.s32 $0x1480;
	s0 =	sand.u32 $0x1, s0  }
0x4: {  	s18 =	simm.s32 $0x2A00;
	s19 =	simm.s32 $0x2A80;
	s2 =	sshll.u32 s0, $0x4  }
0x5: {  	s20 =	simm.s32 $0x1;
	s21 =	simm.s32 $0x0;
	s2 =	sor.u32 s4, s2  }
0x6: {  	[smem:$0x7FF] =	sst s3;
	s5 =	sadd.s32 $0xC00, s1;
	s6 =	smul.u32 $0x9C, s2  }
0x7: {  	s7 =	sadd.s32 $0xA00, s1;
	s8 =	sadd.s32 $0x800, s1;
	s9 =	smul.u32 $0x9D, s2  }
0x8: {  	s0 =	ssub.s32 $0x2, s0;
	p0 =	slt.u32 s2, $0x8;
	s6 =	sadd.s32 $0x8, s6  }
0x9: {  	s10 =	sadd.s32 $0xF43600, s1;
	s31 =	sshrl.u32 s0, $0x1;
	s6 =	smov.u32 @p0 s9  }
0xa: {  	_ =	strace $0x80000047;
	s0 =	ssub.s32 s0, s31;
	s30 =	smul.u32 $0xC80, s6  }
0xb: {  	s4 =	sadd.s32 $0x1200, s1;
	s11 =	simm.s32 @!p0 $0x9C;
	s14 =	smax.u32 s0, $0x1  }
0xc: {  	s13 =	sadd.s32 $0xFFFFFFFF, s11;
	s9 =	sadd.s32 $0xE00, s1;
	s12 =	sadd.s32 s4, s30  }
.LBB2_1:
0xd: {  	s0 =	rddreg [dreg:$0x1]  }
0xe: {  	[tilespmem:s3], [sflag:$0x1] =	stream.linear.gather [hbm4b:s0+s3], $0x1480, $0x38;
	[tilespmem:$0x1BA80] =	vst v63  }
0xf: {  	_ =	swait.ge [sflag:s20], $0x1480  }
0x10: {  	[sflag:s20] =	ssyncset.done $0x0  }
0x11: {  	[sflag:s20] =	ssyncadd.s32 $0xFFFFEB80  }
0x12: {  	[tilespmem:s15], [sflag:$0x1] =	stream.linear.gather [hbm4b:s9+s3], $0x1480, $0x38;
	[tilespmem:$0x1BA80] =	vst v63  }
0x13: {  	_ =	swait.ge [sflag:s20], $0x1480  }
0x14: {  	[sflag:s20] =	ssyncset.done $0x0  }
0x15: {  	s30 =	simm.s32 $0x2900;
	[sflag:s20] =	ssyncadd.s32 $0xFFFFEB80  }
0x16: {  	[tilespmem:s30], [sflag:$0x1] =	stream.linear.gather [hbm4b:s5+s3], $0x80, $0x38;
	[tilespmem:$0x1BA80] =	vst v63  }
0x17: {  	_ =	swait.ge [sflag:s20], $0x80  }
0x18: {  	[sflag:s20] =	ssyncset.done $0x0  }
0x19: {  	s31 =	simm.s32 $0x2980;
	[sflag:s20] =	ssyncadd.s32 $0xFFFFFF80  }
0x1a: {  	[tilespmem:s31], [sflag:$0x1] =	stream.linear.gather [hbm4b:s7+s3], $0x80, $0x38;
	[tilespmem:$0x1BA80] =	vst v63  }
0x1b: {  	_ =	swait.ge [sflag:s20], $0x80  }
0x1c: {  	[sflag:s20] =	ssyncset.done $0x0  }
0x1d: {  	[sflag:s20] =	ssyncadd.s32 $0xFFFFFF80  }
0x1e: {  	[tilespmem:s18], [sflag:$0x1] =	stream.linear.gather [hbm4b:s8+s3], $0x80, $0x38;
	[tilespmem:$0x1BA80] =	vst v63  }
0x1f: {  	_ =	swait.ge [sflag:s20], $0x80  }
0x20: {  	[sflag:s20] =	ssyncset.done $0x0  }
0x21: {  	s23 =	simm.s32 $0x0;
	s22 =	simm.s32 $0x0;
	[sflag:s20] =	ssyncadd.s32 $0xFFFFFF80  }
0x22: {  	s24 =	simm.s32 $0x0;
	s25 =	simm.s32 $0x0;
	_ =	strace $0x80000048  }
0x23: {  	[tilespmem:s19], [sflag:$0x1] =	stream.linear.gather [hbm4b:s12+s3], $0x6400, $0x200038;
	[tilespmem:$0x1BA80] =	vst v63  }
0x24: {  	s26 =	simm.s32 $0x1;
	s28 =	simm.s32 $0x0;
	_ =	strace $0x90000048  }
.LBB2_2:
0x25: {  	s0 =	smov.u32 s23;
	s23 =	sadd.s32 $0x1, s23  }
0x26: {  	p0 =	seq.s32 s23, s11  }
0x27: {  	s23 =	simm.s32 @p0 $0x0  }
0x28: {  	p6 =	slt.u32 s28, s13;
	p1 =	sne.s32 s0, s23  }
0x29: {  	p0 =	por !p6, !p1  }
0x2a: {  	p0 =	por !p0, !p0  }
0x2b: {  	s1 =	sand.u32 @p0 $0x1, s26  }
0x2c: {  	s2 =	sadd.s32 @p0 s6, s23;
	s16 =	smul.u32 @p0 $0x19000, s1  }
0x2d: {  	s2 =	smul.u32 @p0 $0x6400, s2  }
0x2e: {  	_ =	strace @p0 $0x80000049  }
0x2f: {  	s17 =	simm.s32 @p0 $0x0;
	s16 =	sshrl.u32 @p0 s16, $0x2;
	s2 =	sshrl.u32 @p0 s2, $0x3  }
0x30: {  	s1 =	sadd.s32 @p0 $0x1, s1;
	s16 =	sadd.s32 @p0 $0x2A80, s16;
	s2 =	sadd.s32 @p0 s4, s2  }
0x31: {  	[tilespmem:s16], [sflag:s1] =	stream.linear.gather @p0 [hbm4b:s2+s17], $0x6400, $0x200038;
	[tilespmem:$0x1BA80] =	vst v63  }
0x32: {  	s17 =	sand.u32 $0x1, s25;
	_ =	strace @p0 $0x90000049  }
0x33: {  	s16 =	sadd.s32 $0x1, s17;
	_ =	strace $0x8000004A  }
0x34: {  	_ =	swait.ge [sflag:s16], $0x6400  }
0x35: {  	[sflag:s16] =	ssyncset.done $0x0  }
0x36: {  	[sflag:s16] =	ssyncadd.s32 $0xFFFF9C00  }
0x37: {  	_ =	strace $0x9000004A  }
0x38: {  	s1 =	simm.s32 $0x9080;
	p2 =	seq.s32 s17, $0x1;
	_ =	strace $0x8000004B  }
0x39: {  	s1 =	simm.s32 @!p2 $0x2C80;
	v0 =	vld [tilespmem:$0x2900]  }
0x3a: {  	v2 =	vld [tilespmem:s1+$0x180]  }
0x3b: {  	v4 =	vld [tilespmem:s1+$0xFFFFFE80]  }
0x3c: {  	v1 =	vld [tilespmem:$0x2980]  }
0x3d: {  	v6 =	vld [tilespmem:s1+$0xFFFFFF80]  }
0x3e: {  	v10 =	vld [tilespmem:s1+$0xFFFFFE00];
	_ =	sdelay $0x1  }
0x3f: {  	v5 =	vld [tilespmem:s1+$0xFFFFFF00];
	v3 =	vmul.f32 v2, v0;
	v4 =	vmul.f32 v4, v0  }
0x40: {  	v9 =	vld [tilespmem:s1+$0x80]  }
0x41: {  	v3 =	vadd.f32 v3, v1;
	v13 =	vadd.f32 v4, v1;
	v4 =	vmul.f32 v6, v0  }
0x42: {  	v10 =	vmul.f32 v10, v0  }
0x43: {  	v8 =	vld [tilespmem:s1+$0x0];
	v7 =	vtrunc.f32 v3;
	v49 =	vadd.f32 v4, v1;
	v4 =	vtrunc.f32 v13  }
0x44: {  	v2 =	vld [tilespmem:$0x2A00];
	v10 =	vadd.f32 v10, v1;
	v7 =	vcvt.f32.s32 v7;
	v21 =	vcvt.f32.s32 v4  }
0x45: {  	v5 =	vmul.f32 v5, v0;
	v48 =	vmul.f32 v9, v0  }
0x46: {  	v11 =	vld [tilespmem:s1+$0x100];
	v19 =	vtrunc.f32 v10;
	vm0 =	vgt.s32 v7, $0x1000;
	vm1 =	vgt.s32 v21, $0x1000  }
0x47: {  	v19 =	vcvt.f32.s32 v19;
	v12 =	vnsel vm0, $0x1000, v7;
	v22 =	vnsel vm1, $0x1000, v21  }
0x48: {  	v15 =	vtrunc.f32 v49;
	v12 =	vmin.u32 v12, $0x10C6;
	v22 =	vmin.u32 v22, $0x10C6  }
0x49: {  	v6 =	vadd.s32 v2, v12;
	v12 =	vadd.f32 v5, v1;
	v5 =	vmul.f32 v8, v0  }
0x4a: {  	v7 =	vcvt.s32.f32 v7;
	v8 =	vadd.f32 v48, v1;
	v22 =	vadd.s32 v2, v22  }
0x4b: {  	v21 =	vcvt.s32.f32 v21;
	v14 =	vadd.f32 v5, v1;
	v5 =	vmul.f32 v11, v0  }
0x4c: {  	vm15 =	vgt.s32 v19, $0x1000;
	v50 =	vtrunc.f32 v12;
	v17 =	vtrunc.f32 v8  }
0x4d: {  	v3 =	vsub.f32 v3, v7;
	v11 =	vcvt.f32.s32 v50;
	v17 =	vcvt.f32.s32 v17  }
0x4e: {  	v7 =	vcvt.f32.s32 v15;
	v13 =	vsub.f32 v13, v21;
	v16 =	vadd.f32 v5, v1;
	v18 =	vld.idx.msk [tilespmem:v6+s15+$0x0], $0xffff  }
0x4f: {  	v5 =	vtrunc.f32 v14;
	vm2 =	vgt.s32 v11, $0x1000;
	vm6 =	vgt.s32 v17, $0x1000;
	v29 =	vld.idx.msk [tilespmem:v22+s15+$0x0], $0xffff  }
0x50: {  	s29 =	sand.u32 $0x1, s24;
	v6 =	vld.idx.msk [tilespmem:v6+s3+$0x0], $0xffff;
	v15 =	vcvt.f32.s32 v5;
	v23 =	vnsel vm2, $0x1000, v11;
	v26 =	vnsel vm6, $0x1000, v17  }
0x51: {  	s17 =	smul.u32 $0x19000, s29;
	v11 =	vcvt.s32.f32 v11;
	v23 =	vmin.u32 v23, $0x10C6;
	v26 =	vmin.u32 v26, $0x10C6  }
0x52: {  	v4 =	vld [tilespmem:$0x2910];
	v20 =	vtrunc.f32 v16;
	v23 =	vadd.s32 v2, v23;
	v26 =	vadd.s32 v2, v26  }
0x53: {  	s2 =	sshrl.u32 s17, $0x2;
	s17 =	sadd.s32 $0x400, s1;
	v5 =	vld [tilespmem:$0x2990];
	v11 =	vsub.f32 v12, v11;
	v3 =	vmul.f32 v3, v18;
	v18 =	vcvt.f32.s32 v20  }
0x54: {  	v20 =	vnsel vm15, $0x1000, v19;
	v19 =	vcvt.s32.f32 v19;
	v12 =	vmul.f32 v13, v29;
	v29 =	vld [tilespmem:s17+$0xFFFFFE00]  }
0x55: {  	vm4 =	vgt.s32 v15, $0x1000;
	v6 =	vadd.f32 v3, v6;
	v3 =	vld [tilespmem:$0x2A10]  }
0x56: {  	v25 =	vnsel vm4, $0x1000, v15;
	v10 =	vsub.f32 v10, v19;
	v19 =	vld.idx.msk [tilespmem:v22+s3+$0x0], $0xffff  }
0x57: {  	v25 =	vmin.u32 v25, $0x10C6;
	v30 =	vld.idx.msk [tilespmem:v23+s15+$0x0], $0xffff  }
0x58: {  	v25 =	vadd.s32 v2, v25;
	v20 =	vmin.u32 v20, $0x10C6;
	vm7 =	vgt.s32 v18, $0x1000;
	v33 =	vld.idx.msk [tilespmem:v26+s15+$0x0], $0xffff  }
0x59: {  	v20 =	vadd.s32 v2, v20;
	v28 =	vnsel vm7, $0x1000, v18;
	v22 =	vld.idx.msk [tilespmem:v23+s3+$0x0], $0xffff  }
0x5a: {  	s30 =	sadd.s32 $0xF480, s2;
	v52 =	vld.idx.msk [tilespmem:v26+s3+$0x0], $0xffff;
	v28 =	vmin.u32 v28, $0x10C6  }
0x5b: {  	v26 =	vld [tilespmem:s17+$0x0];
	[tilespmem:s30+$0x180] =	vst v6;
	v28 =	vadd.s32 v2, v28  }
0x5c: {  	vm3 =	vgt.s32 v7, $0x1000;
	v24 =	vld [tilespmem:s1+$0x18A]  }
0x5d: {  	v6 =	vnsel vm3, $0x1000, v7;
	v32 =	vld.idx.msk [tilespmem:v25+s15+$0x0], $0xffff  }
0x5e: {  	v17 =	vcvt.s32.f32 v17;
	v15 =	vcvt.s32.f32 v15;
	v6 =	vmin.u32 v6, $0x10C6;
	v27 =	vld.idx.msk [tilespmem:v20+s15+$0x0], $0xffff  }
0x5f: {  	v29 =	vmul.f32 v29, v0;
	v6 =	vadd.s32 v2, v6;
	v20 =	vld.idx.msk [tilespmem:v20+s3+$0x0], $0xffff  }
0x60: {  	v8 =	vsub.f32 v8, v17;
	v14 =	vsub.f32 v14, v15;
	v51 =	vmul.f32 v11, v30;
	v21 =	vld.idx.msk [tilespmem:v28+s15+$0x0], $0xffff  }
0x61: {  	v18 =	vcvt.s32.f32 v18;
	v7 =	vcvt.s32.f32 v7;
	v29 =	vadd.f32 v29, v1;
	v15 =	vld.idx.msk [tilespmem:v28+s3+$0x0], $0xffff  }
0x62: {  	v26 =	vmul.f32 v26, v0;
	v24 =	vmul.f32 v24, v4;
	v9 =	vadd.f32 v51, v22;
	v22 =	vld [tilespmem:s17+$0xFFFFFF00]  }
0x63: {  	v8 =	vmul.f32 v8, v33;
	v40 =	vtrunc.f32 v29;
	v28 =	vld [tilespmem:s17+$0x80]  }
0x64: {  	v14 =	vmul.f32 v14, v32;
	v26 =	vadd.f32 v26, v1;
	v31 =	vld.idx.msk [tilespmem:v6+s15+$0x0], $0xffff;
	v24 =	vadd.f32 v24, v5  }
0x65: {  	v12 =	vadd.f32 v12, v19;
	v40 =	vcvt.f32.s32 v40;
	v10 =	vmul.f32 v10, v27  }
0x66: {  	v7 =	vsub.f32 v49, v7;
	v6 =	vld.idx.msk [tilespmem:v6+s3+$0x0], $0xffff;
	v37 =	vtrunc.f32 v26;
	v34 =	vtrunc.f32 v24  }
0x67: {  	v17 =	vld [tilespmem:s17+$0x180];
	[tilespmem:s30+$0xFFFFFE80] =	vst v12;
	v37 =	vcvt.f32.s32 v37;
	v10 =	vadd.f32 v10, v20;
	v34 =	vcvt.f32.s32 v34  }
0x68: {  	v12 =	vsub.f32 v16, v18;
	v16 =	vld [tilespmem:s1+$0xFFFFFE8A];
	v22 =	vmul.f32 v22, v0;
	v28 =	vmul.f32 v28, v0  }
0x69: {  	vm5 =	vgt.s32 v37, $0x1000;
	v63 =	vcvt.s32.f32 v37;
	[tilespmem:s30+$0xFFFFFE00] =	vst v10;
	v7 =	vmul.f32 v7, v31;
	v31 =	vld [tilespmem:s17+$0x100]  }
0x6a: {  	v46 =	vnsel vm5, $0x1000, v37;
	vm8 =	vgt.s32 v34, $0x1000;
	v10 =	vld [tilespmem:s1+$0xFFFFFE0A];
	v22 =	vadd.f32 v22, v1  }
0x6b: {  	v23 =	vnsel vm8, $0x1000, v34;
	v6 =	vadd.f32 v7, v6;
	v7 =	vmul.f32 v12, v21;
	v21 =	vld [tilespmem:s17+$0xFFFFFE80]  }
0x6c: {  	v55 =	vcvt.s32.f32 v34;
	v28 =	vadd.f32 v28, v1;
	v13 =	vmin.u32 v23, $0x10C6;
	v23 =	vld.idx.msk [tilespmem:v25+s3+$0x0], $0xffff  }
0x6d: {  	v46 =	vmin.u32 v46, $0x10C6;
	v25 =	vld [tilespmem:s17+$0xFFFFFF80];
	v35 =	vtrunc.f32 v22;
	[tilespmem:s30+$0xFFFFFF80] =	vst v6;
	v6 =	vadd.f32 v8, v52  }
0x6e: {  	v39 =	vtrunc.f32 v28;
	v7 =	vadd.f32 v7, v15;
	v31 =	vmul.f32 v31, v0  }
0x6f: {  	v13 =	vadd.s32 v3, v13;
	v35 =	vcvt.f32.s32 v35;
	[tilespmem:s30+$0x80] =	vst v6;
	v6 =	vmul.f32 v10, v4  }
0x70: {  	v39 =	vcvt.f32.s32 v39;
	[tilespmem:s30+$0x100] =	vst v7;
	v7 =	vmul.f32 v16, v4;
	v31 =	vadd.f32 v31, v1  }
0x71: {  	v21 =	vmul.f32 v21, v0;
	v12 =	vadd.f32 v14, v23;
	v10 =	vadd.f32 v6, v5  }
0x72: {  	[tilespmem:s30+$0xFFFFFF00] =	vst v9;
	v7 =	vadd.f32 v7, v5;
	v23 =	vmul.f32 v17, v0;
	v25 =	vmul.f32 v25, v0  }
0x73: {  	v14 =	vld [tilespmem:s1+$0xFFFFFF0A];
	v21 =	vadd.f32 v21, v1;
	v42 =	vtrunc.f32 v31;
	v56 =	vtrunc.f32 v10  }
0x74: {  	v53 =	vld.idx.msk [tilespmem:v13+s15+$0x0], $0xffff;
	v16 =	vtrunc.f32 v7;
	v23 =	vadd.f32 v23, v1;
	v42 =	vcvt.f32.s32 v42  }
0x75: {  	v25 =	vadd.f32 v25, v1;
	v20 =	vcvt.f32.s32 v56;
	v19 =	vcvt.f32.s32 v16  }
0x76: {  	v46 =	vadd.s32 v2, v46;
	[tilespmem:s30+$0x0] =	vst v12;
	v12 =	vld [tilespmem:s1+$0xFFFFFF8A];
	v60 =	vtrunc.f32 v21;
	v30 =	vtrunc.f32 v23  }
0x77: {  	v11 =	vsub.f32 v24, v55;
	v54 =	vld.idx.msk [tilespmem:v13+s3+$0x0], $0xffff;
	v36 =	vtrunc.f32 v25;
	v34 =	vcvt.f32.s32 v60  }
0x78: {  	v13 =	vld [tilespmem:s1+$0xA];
	v6 =	vmul.f32 v14, v4;
	vm9 =	vgt.s32 v20, $0x1000;
	v30 =	vcvt.f32.s32 v30  }
0x79: {  	vm10 =	vgt.s32 v19, $0x1000;
	v36 =	vcvt.f32.s32 v36;
	v9 =	vmul.f32 v11, v53  }
0x7a: {  	v15 =	vld [tilespmem:s1+$0x8A];
	v27 =	vnsel vm10, $0x1000, v19;
	vm10 =	vgt.s32 v34, $0x1000;
	v19 =	vcvt.s32.f32 v19  }
0x7b: {  	v6 =	vadd.f32 v6, v5;
	v12 =	vmul.f32 v12, v4;
	vm8 =	vgt.s32 v30, $0x1000  }
0x7c: {  	v14 =	vld [tilespmem:s1+$0x10A];
	v45 =	vnsel vm10, $0x1000, v34;
	v34 =	vcvt.s32.f32 v34;
	v18 =	vadd.f32 v9, v54  }
0x7d: {  	v57 =	vmul.f32 v13, v4;
	v59 =	vnsel vm8, $0x1000, v30;
	v30 =	vcvt.s32.f32 v30  }
0x7e: {  	v45 =	vmin.u32 v45, $0x10C6;
	v19 =	vsub.f32 v7, v19;
	v13 =	vtrunc.f32 v6  }
0x7f: {  	v8 =	vadd.f32 v12, v5;
	v12 =	vmul.f32 v15, v4;
	v33 =	vmin.u32 v59, $0x10C6  }
0x80: {  	v45 =	vadd.s32 v2, v45;
	v21 =	vsub.f32 v21, v34;
	v9 =	vadd.f32 v57, v5  }
0x81: {  	v58 =	vmul.f32 v14, v4;
	v16 =	vcvt.f32.s32 v13;
	v33 =	vadd.s32 v2, v33  }
0x82: {  	v23 =	vsub.f32 v23, v30;
	v14 =	vtrunc.f32 v8;
	v12 =	vadd.f32 v12, v5  }
0x83: {  	v15 =	vtrunc.f32 v9;
	v11 =	vadd.f32 v58, v5;
	v13 =	vcvt.f32.s32 v14  }
0x84: {  	vm11 =	vgt.s32 v16, $0x1000;
	v14 =	vtrunc.f32 v12;
	v15 =	vcvt.f32.s32 v15  }
0x85: {  	v32 =	vnsel vm11, $0x1000, v16;
	vm11 =	vgt.s32 v35, $0x1000;
	v16 =	vcvt.s32.f32 v16  }
0x86: {  	v24 =	vtrunc.f32 v11;
	v17 =	vcvt.f32.s32 v14;
	vm12 =	vgt.s32 v13, $0x1000;
	v44 =	vld.idx.msk [tilespmem:v33+s15+$0x0], $0xffff  }
0x87: {  	v61 =	vnsel vm11, $0x1000, v35;
	v35 =	vcvt.s32.f32 v35;
	v14 =	vcvt.f32.s32 v24  }
0x88: {  	v24 =	vnsel vm9, $0x1000, v20;
	vm13 =	vgt.s32 v15, $0x1000;
	v38 =	vnsel vm12, $0x1000, v13;
	v33 =	vld.idx.msk [tilespmem:v33+s3+$0x0], $0xffff  }
0x89: {  	vm9 =	vgt.s32 v40, $0x1000;
	vm12 =	vgt.s32 v36, $0x1000;
	v20 =	vcvt.s32.f32 v20  }
0x8a: {  	v13 =	vcvt.s32.f32 v13;
	vm14 =	vgt.s32 v17, $0x1000;
	v41 =	vnsel vm13, $0x1000, v15  }
0x8b: {  	v30 =	vnsel vm9, $0x1000, v40;
	v40 =	vcvt.s32.f32 v40;
	v23 =	vmul.f32 v23, v44  }
0x8c: {  	v50 =	vld.idx.msk [tilespmem:v45+s15+$0x0], $0xffff;
	v24 =	vmin.u32 v24, $0x10C6;
	v43 =	vnsel vm14, $0x1000, v17;
	vm14 =	vgt.s32 v42, $0x1000  }
0x8d: {  	v60 =	vld.idx.msk [tilespmem:v45+s3+$0x0], $0xffff;
	v30 =	vmin.u32 v30, $0x10C6;
	v45 =	vadd.s32 v3, v24;
	v23 =	vadd.f32 v23, v33  }
0x8e: {  	s31 =	sadd.s32 $0x400, s30;
	vm13 =	vgt.s32 v39, $0x1000;
	v30 =	vadd.s32 v2, v30;
	v48 =	vnsel vm14, $0x1000, v42  }
0x8f: {  	v52 =	vld.idx.msk [tilespmem:v46+s15+$0x0], $0xffff;
	v62 =	vnsel vm12, $0x1000, v36;
	v40 =	vsub.f32 v29, v40;
	v48 =	vmin.u32 v48, $0x10C6;
	[tilespmem:s31+$0x180] =	vst v23  }
0x90: {  	v29 =	vcvt.s32.f32 v36;
	v44 =	vmin.u32 v61, $0x10C6;
	v48 =	vadd.s32 v2, v48;
	v47 =	vld [tilespmem:s17+$0x18A]  }
0x91: {  	v36 =	vsub.f32 v26, v63;
	v63 =	vld.idx.msk [tilespmem:v46+s3+$0x0], $0xffff;
	v44 =	vadd.s32 v2, v44;
	v33 =	vmin.u32 v62, $0x10C6  }
0x92: {  	v22 =	vsub.f32 v22, v35;
	v15 =	vcvt.s32.f32 v15;
	v55 =	vld.idx.msk [tilespmem:v45+s15+$0x0], $0xffff;
	v33 =	vadd.s32 v2, v33  }
0x93: {  	vm15 =	vgt.s32 v14, $0x1000;
	v59 =	vmin.u32 v41, $0x10C6;
	v20 =	vsub.f32 v10, v20;
	v49 =	vld.idx.msk [tilespmem:v30+s15+$0x0], $0xffff  }
0x94: {  	v17 =	vcvt.s32.f32 v17;
	v57 =	vnsel vm15, $0x1000, v14;
	v30 =	vld.idx.msk [tilespmem:v30+s3+$0x0], $0xffff;
	v23 =	vnsel vm13, $0x1000, v39  }
0x95: {  	v26 =	vmin.u32 v27, $0x10C6;
	v23 =	vmin.u32 v23, $0x10C6;
	v53 =	vld.idx.msk [tilespmem:v48+s15+$0x0], $0xffff;
	v56 =	vmul.f32 v47, v4  }
0x96: {  	v27 =	vmin.u32 v32, $0x10C6;
	v14 =	vcvt.s32.f32 v14;
	v23 =	vadd.s32 v2, v23;
	v37 =	vld.idx.msk [tilespmem:v44+s15+$0x0], $0xffff  }
0x97: {  	v51 =	vsub.f32 v25, v29;
	v25 =	vcvt.s32.f32 v42;
	v34 =	vld.idx.msk [tilespmem:v33+s15+$0x0], $0xffff;
	v35 =	vadd.f32 v56, v5  }
0x98: {  	v21 =	vmul.f32 v21, v50;
	v29 =	vadd.s32 v3, v27;
	v24 =	vld.idx.msk [tilespmem:v44+s3+$0x0], $0xffff;
	v27 =	vmul.f32 v40, v49  }
0x99: {  	v36 =	vmul.f32 v36, v52;
	v31 =	vsub.f32 v31, v25;
	v33 =	vld.idx.msk [tilespmem:v33+s3+$0x0], $0xffff;
	v25 =	vtrunc.f32 v35  }
0x9a: {  	v54 =	vld.idx.msk [tilespmem:v48+s3+$0x0], $0xffff;
	v44 =	vadd.s32 v3, v26;
	v30 =	vadd.f32 v27, v30;
	v61 =	vcvt.f32.s32 v25  }
0x9b: {  	v21 =	vadd.f32 v21, v60;
	v39 =	vcvt.s32.f32 v39;
	v58 =	vld.idx.msk [tilespmem:v23+s15+$0x0], $0xffff;
	v22 =	vmul.f32 v22, v37  }
0x9c: {  	v41 =	vsub.f32 v11, v14;
	v23 =	vld.idx.msk [tilespmem:v23+s3+$0x0], $0xffff;
	[tilespmem:s31+$0xFFFFFE00] =	vst v30;
	v34 =	vmul.f32 v51, v34;
	vm15 =	vgt.s32 v61, $0x1000  }
0x9d: {  	[tilespmem:s31+$0xFFFFFE80] =	vst v21;
	v39 =	vsub.f32 v28, v39;
	v22 =	vadd.f32 v22, v24;
	v24 =	vld [tilespmem:s17+$0xFFFFFE0A];
	v49 =	vnsel vm15, $0x1000, v61  }
0x9e: {  	v21 =	vld [tilespmem:s17+$0xFFFFFE8A];
	v31 =	vmul.f32 v31, v53;
	v33 =	vadd.f32 v34, v33;
	v50 =	vmin.u32 v49, $0x10C6  }
0x9f: {  	v62 =	vmin.u32 v57, $0x10C6;
	v7 =	vadd.f32 v36, v63;
	v30 =	vld.idx.msk [tilespmem:v44+s15+$0x0], $0xffff;
	[tilespmem:s31+$0xFFFFFF00] =	vst v22;
	v32 =	vadd.s32 v3, v50  }
0xa0: {  	v56 =	vmul.f32 v39, v58;
	v57 =	vld [tilespmem:s17+$0xFFFFFF0A];
	v39 =	vsub.f32 v8, v13;
	v13 =	vadd.f32 v31, v54;
	[tilespmem:s31+$0xFFFFFF80] =	vst v33  }
0xa1: {  	[tilespmem:s31+$0x0] =	vst v7;
	v28 =	vmin.u32 v38, $0x10C6;
	v38 =	vsub.f32 v12, v17;
	v40 =	vsub.f32 v6, v16;
	v31 =	vld [tilespmem:s17+$0xFFFFFF8A]  }
0xa2: {  	v16 =	vadd.f32 v56, v23;
	v23 =	vcvt.s32.f32 v61;
	v12 =	vmul.f32 v24, v4;
	v24 =	vld [tilespmem:s17+$0xA];
	[tilespmem:s31+$0x100] =	vst v13  }
0xa3: {  	v26 =	vadd.s32 v3, v59;
	v28 =	vadd.s32 v3, v28;
	v58 =	vmul.f32 v21, v4;
	v60 =	vld [tilespmem:s17+$0x10A]  }
0xa4: {  	v27 =	vadd.s32 v3, v62;
	v25 =	vmin.u32 v43, $0x10C6;
	[tilespmem:s31+$0x80] =	vst v16;
	v13 =	vsub.f32 v35, v23;
	v22 =	vld.idx.msk [tilespmem:v32+s15+$0x0], $0xffff  }
0xa5: {  	v23 =	vadd.f32 v12, v5;
	v16 =	vadd.f32 v58, v5;
	v59 =	vld [tilespmem:s17+$0x8A];
	v12 =	vmul.f32 v57, v4  }
0xa6: {  	v25 =	vadd.s32 v3, v25;
	v21 =	vmul.f32 v20, v55;
	v19 =	vmul.f32 v19, v30;
	v32 =	vld.idx.msk [tilespmem:v32+s3+$0x0], $0xffff  }
0xa7: {  	v14 =	vld.idx.msk [tilespmem:v29+s15+$0x0], $0xffff;
	v30 =	vtrunc.f32 v16;
	v17 =	vadd.f32 v12, v5;
	v12 =	vmul.f32 v31, v4  }
0xa8: {  	v42 =	vsub.f32 v9, v15;
	v15 =	vld.idx.msk [tilespmem:v28+s15+$0x0], $0xffff;
	v62 =	vmul.f32 v24, v4;
	v30 =	vcvt.f32.s32 v30  }
0xa9: {  	v37 =	vld.idx.msk [tilespmem:v27+s15+$0x0], $0xffff;
	v34 =	vmul.f32 v60, v4;
	v61 =	vmul.f32 v13, v22  }
0xaa: {  	v33 =	vld.idx.msk [tilespmem:v45+s3+$0x0], $0xffff;
	v20 =	vadd.f32 v12, v5;
	v24 =	vmul.f32 v59, v4;
	v22 =	vtrunc.f32 v23  }
0xab: {  	v43 =	vld.idx.msk [tilespmem:v25+s15+$0x0], $0xffff;
	v31 =	vcvt.f32.s32 v22;
	v22 =	vadd.f32 v62, v5;
	v32 =	vadd.f32 v61, v32  }
0xac: {  	s16 =	simm.s32 $0x8;
	s1 =	sadd.s32 s6, s0;
	[tilespmem:s30+$0x18A] =	vst v18;
	v63 =	vtrunc.f32 v17;
	v18 =	vadd.f32 v34, v5;
	v34 =	vld.idx.msk [tilespmem:v44+s3+$0x0], $0xffff;
	v35 =	vtrunc.f32 v20  }
0xad: {  	s0 =	sadd.s32 $0xF280, s2;
	s2 =	smov.u32 s31;
	s17 =	sadd.s32 $0x400, s17;
	v24 =	vadd.f32 v24, v5;
	v13 =	vld.idx.msk [tilespmem:v26+s15+$0x0], $0xffff;
	v36 =	vtrunc.f32 v22;
	[tilespmem:s31+$0x18A] =	vst v32;
	v32 =	vcvt.f32.s32 v63  }
.LBB2_3:
0xae: {  	v58 =	vld [tilespmem:s17+$0x180]  }
0xaf: {  	[tilespmem:$0x1FFB0] =	vst v42;
	v60 =	vld [tilespmem:s17+$0xFFFFFE80]  }
0xb0: {  	[tilespmem:$0x1FFF0] =	vst v41;
	v41 =	vcvt.f32.s32 v35;
	v42 =	vcvt.f32.s32 v36;
	v62 =	vld [tilespmem:s17+$0xFFFFFF00]  }
0xb1: {  	v63 =	vld [tilespmem:s17+$0xFFFFFF80];
	vm0 =	vgt.s32 v31, $0x1000;
	v59 =	vtrunc.f32 v24;
	v61 =	vtrunc.f32 v18  }
0xb2: {  	[tilespmem:$0x1FF90] =	vst v40;
	v44 =	vld [tilespmem:s17+$0x0];
	vm1 =	vgt.s32 v30, $0x1000;
	vm2 =	vgt.s32 v32, $0x1000;
	v40 =	vcvt.f32.s32 v61  }
0xb3: {  	v46 =	vld [tilespmem:s17+$0x80];
	v8 =	vnsel vm0, $0x1000, v31;
	vm14 =	vgt.s32 v41, $0x1000;
	vm3 =	vgt.s32 v42, $0x1000  }
0xb4: {  	v49 =	vld [tilespmem:s17+$0x100];
	v45 =	vnsel vm1, $0x1000, v30;
	v47 =	vnsel vm2, $0x1000, v32;
	v31 =	vcvt.s32.f32 v31  }
0xb5: {  	v48 =	vnsel vm14, $0x1000, v41;
	v57 =	vmin.u32 v8, $0x10C6;
	v47 =	vmin.u32 v47, $0x10C6;
	[tilespmem:$0x1FFD0] =	vst v43  }
0xb6: {  	v52 =	vld [tilespmem:s17+$0xFFFFFE00];
	[tilespmem:$0x1FFE0] =	vst v37;
	v43 =	vcvt.f32.s32 v59;
	vm4 =	vgt.s32 v40, $0x1000;
	v37 =	vmul.f32 v58, v0  }
0xb7: {  	[tilespmem:$0x1FFC0] =	vst v38;
	v38 =	vmul.f32 v60, v0;
	v53 =	vmul.f32 v62, v0;
	v55 =	vnsel vm4, $0x1000, v40  }
0xb8: {  	v35 =	vmul.f32 v63, v0;
	v9 =	vmul.f32 v44, v0;
	v54 =	vadd.f32 v37, v1  }
0xb9: {  	[tilespmem:$0x1FFA0] =	vst v39;
	v39 =	vld.idx.msk [tilespmem:v29+s3+$0x0], $0xffff;
	v10 =	vmul.f32 v46, v0;
	v49 =	vmul.f32 v49, v0;
	v63 =	vmin.u32 v45, $0x10C6  }
0xba: {  	v56 =	vadd.f32 v38, v1;
	v29 =	vadd.f32 v53, v1;
	v38 =	vld.idx.msk [tilespmem:v28+s3+$0x0], $0xffff;
	v37 =	vtrunc.f32 v54  }
0xbb: {  	v28 =	vadd.f32 v35, v1;
	v35 =	vld.idx.msk [tilespmem:v25+s3+$0x0], $0xffff;
	v25 =	vmul.f32 v52, v0;
	v11 =	vcvt.f32.s32 v37  }
0xbc: {  	v36 =	vld.idx.msk [tilespmem:v27+s3+$0x0], $0xffff;
	v53 =	vadd.f32 v9, v1;
	v44 =	vadd.f32 v10, v1;
	v27 =	vtrunc.f32 v29  }
0xbd: {  	v25 =	vadd.f32 v25, v1;
	v58 =	vtrunc.f32 v28;
	vm8 =	vgt.s32 v11, $0x1000  }
0xbe: {  	v59 =	vtrunc.f32 v53;
	v60 =	vtrunc.f32 v44;
	v62 =	vnsel vm8, $0x1000, v11  }
0xbf: {  	v37 =	vld.idx.msk [tilespmem:v26+s3+$0x0], $0xffff;
	v26 =	vtrunc.f32 v56;
	v27 =	vcvt.f32.s32 v27;
	v52 =	vmin.u32 v62, $0x10C6  }
0xc0: {  	v58 =	vcvt.f32.s32 v58;
	v59 =	vcvt.f32.s32 v59;
	v52 =	vadd.s32 v2, v52  }
0xc1: {  	v49 =	vadd.f32 v49, v1;
	v60 =	vcvt.f32.s32 v60;
	v61 =	vtrunc.f32 v25  }
0xc2: {  	v26 =	vcvt.f32.s32 v26;
	v45 =	vcvt.f32.s32 v61;
	vm11 =	vgt.s32 v27, $0x1000  }
0xc3: {  	vm12 =	vgt.s32 v58, $0x1000;
	vm13 =	vgt.s32 v59, $0x1000;
	vm5 =	vgt.s32 v60, $0x1000  }
0xc4: {  	v46 =	vcvt.s32.f32 v11;
	vm10 =	vgt.s32 v26, $0x1000;
	v62 =	vtrunc.f32 v49  }
0xc5: {  	v8 =	vnsel vm11, $0x1000, v27;
	v7 =	vnsel vm10, $0x1000, v26;
	v61 =	vcvt.f32.s32 v62;
	v62 =	vld.idx.msk [tilespmem:v52+s15+$0x0], $0xffff  }
0xc6: {  	v9 =	vnsel vm12, $0x1000, v58;
	vm9 =	vgt.s32 v45, $0x1000;
	v7 =	vmin.u32 v7, $0x10C6  }
0xc7: {  	v11 =	vnsel vm5, $0x1000, v60;
	v6 =	vnsel vm9, $0x1000, v45;
	v7 =	vadd.s32 v2, v7;
	v52 =	vld.idx.msk [tilespmem:v52+s3+$0x0], $0xffff  }
0xc8: {  	v46 =	vsub.f32 v54, v46;
	v9 =	vmin.u32 v9, $0x10C6;
	v6 =	vmin.u32 v6, $0x10C6  }
0xc9: {  	v11 =	vmin.u32 v11, $0x10C6;
	v26 =	vcvt.s32.f32 v26;
	v6 =	vadd.s32 v2, v6  }
0xca: {  	v9 =	vadd.s32 v2, v9;
	v45 =	vcvt.s32.f32 v45;
	v46 =	vmul.f32 v46, v62  }
0xcb: {  	v11 =	vadd.s32 v2, v11;
	v56 =	vsub.f32 v56, v26;
	vm14 =	vgt.s32 v61, $0x1000  }
0xcc: {  	v26 =	vcvt.s32.f32 v60;
	v54 =	vnsel vm14, $0x1000, v61;
	v60 =	vld.idx.msk [tilespmem:v7+s15+$0x0], $0xffff;
	v46 =	vadd.f32 v46, v52  }
0xcd: {  	s31 =	sadd.s32 $0x400, s31;
	v27 =	vcvt.s32.f32 v27;
	v8 =	vmin.u32 v8, $0x10C6;
	v54 =	vmin.u32 v54, $0x10C6;
	v7 =	vld.idx.msk [tilespmem:v7+s3+$0x0], $0xffff  }
0xce: {  	v52 =	vadd.s32 v2, v54;
	v54 =	vsub.f32 v25, v45;
	v25 =	vcvt.s32.f32 v58;
	v58 =	vld.idx.msk [tilespmem:v6+s15+$0x0], $0xffff;
	[tilespmem:s31+$0x180] =	vst v46  }
0xcf: {  	v10 =	vnsel vm13, $0x1000, v59;
	v8 =	vadd.s32 v2, v8;
	v45 =	vcvt.s32.f32 v59;
	v46 =	vld [tilespmem:s17+$0x18A]  }
0xd0: {  	v59 =	vcvt.s32.f32 v61;
	v61 =	vsub.f32 v29, v27;
	v27 =	vmin.u32 v55, $0x10C6;
	v55 =	vld.idx.msk [tilespmem:v9+s15+$0x0], $0xffff  }
0xd1: {  	v50 =	vnsel vm3, $0x1000, v42;
	v10 =	vmin.u32 v10, $0x10C6;
	v29 =	vadd.s32 v3, v47;
	v47 =	vld.idx.msk [tilespmem:v11+s15+$0x0], $0xffff  }
0xd2: {  	v48 =	vmin.u32 v48, $0x10C6;
	vm15 =	vgt.s32 v43, $0x1000;
	v10 =	vadd.s32 v2, v10;
	v6 =	vld.idx.msk [tilespmem:v6+s3+$0x0], $0xffff  }
0xd3: {  	v50 =	vmin.u32 v50, $0x10C6;
	v51 =	vnsel vm15, $0x1000, v43;
	v12 =	vsub.f32 v44, v26;
	v9 =	vld.idx.msk [tilespmem:v9+s3+$0x0], $0xffff  }
0xd4: {  	v62 =	vsub.f32 v28, v25;
	v25 =	vmin.u32 v51, $0x10C6;
	v51 =	vld.idx.msk [tilespmem:v8+s15+$0x0], $0xffff;
	v26 =	vmul.f32 v46, v4  }
0xd5: {  	v53 =	vsub.f32 v53, v45;
	v45 =	vadd.s32 v3, v57;
	v28 =	vadd.s32 v3, v48;
	v8 =	vld.idx.msk [tilespmem:v8+s3+$0x0], $0xffff  }
0xd6: {  	v48 =	vadd.f32 v26, v5;
	v26 =	vadd.s32 v3, v50;
	v50 =	vmul.f32 v54, v58;
	v54 =	vld.idx.msk [tilespmem:v52+s15+$0x0], $0xffff  }
0xd7: {  	v41 =	vcvt.s32.f32 v41;
	v21 =	vadd.f32 v21, v33;
	v44 =	vadd.s32 v3, v63;
	v46 =	vld.idx.msk [tilespmem:v10+s15+$0x0], $0xffff  }
0xd8: {  	v23 =	vsub.f32 v23, v31;
	v19 =	vadd.f32 v19, v34;
	v56 =	vmul.f32 v56, v60;
	v11 =	vld.idx.msk [tilespmem:v11+s3+$0x0], $0xffff  }
0xd9: {  	[tilespmem:s30+$0xFFFFFE0A] =	vst v21;
	v49 =	vsub.f32 v49, v59;
	v31 =	vmul.f32 v62, v55;
	v10 =	vld.idx.msk [tilespmem:v10+s3+$0x0], $0xffff;
	v63 =	vtrunc.f32 v48  }
0xda: {  	v60 =	vmul.f32 v61, v51;
	v6 =	vadd.f32 v50, v6;
	v50 =	vld.idx.msk [tilespmem:v45+s15+$0x0], $0xffff;
	v61 =	vcvt.f32.s32 v63  }
0xdb: {  	[tilespmem:s30+$0xFFFFFE8A] =	vst v19;
	v7 =	vadd.f32 v56, v7;
	v63 =	vcvt.s32.f32 v32;
	v19 =	vmul.f32 v49, v54;
	v49 =	vld.idx.msk [tilespmem:v52+s3+$0x0], $0xffff  }
0xdc: {  	v21 =	vmul.f32 v53, v46;
	[tilespmem:s31+$0xFFFFFE00] =	vst v6;
	v6 =	vadd.f32 v60, v8;
	v52 =	vld.idx.msk [tilespmem:v44+s15+$0x0], $0xffff  }
0xdd: {  	v17 =	vsub.f32 v17, v63;
	[tilespmem:s31+$0xFFFFFE80] =	vst v7;
	v54 =	vsub.f32 v20, v41;
	v20 =	vld [tilespmem:$0x1FF90]  }
0xde: {  	v30 =	vcvt.s32.f32 v30;
	v7 =	vadd.f32 v31, v9;
	[tilespmem:s31+$0xFFFFFF00] =	vst v6;
	v6 =	vadd.f32 v21, v10;
	v21 =	vld [tilespmem:$0x1FFA0]  }
0xdf: {  	v43 =	vcvt.s32.f32 v43;
	v12 =	vmul.f32 v12, v47;
	vm15 =	vgt.s32 v61, $0x1000;
	v53 =	vld [tilespmem:s17+$0xFFFFFE0A]  }
0xe0: {  	v16 =	vsub.f32 v16, v30;
	v30 =	vcvt.s32.f32 v40;
	v47 =	vnsel vm15, $0x1000, v61;
	[tilespmem:s31+$0xFFFFFF80] =	vst v7;
	v40 =	vmovc v17;
	v17 =	vld [tilespmem:s17+$0xFFFFFF0A]  }
0xe1: {  	v34 =	vmin.u32 v47, $0x10C6;
	v7 =	vadd.f32 v12, v11;
	v12 =	vsub.f32 v24, v43;
	v24 =	vld [tilespmem:s17+$0xFFFFFF8A]  }
0xe2: {  	v34 =	vadd.s32 v3, v34;
	[tilespmem:s31+$0x0] =	vst v6;
	v14 =	vmul.f32 v20, v14;
	v20 =	vld [tilespmem:s17+$0xFFFFFE8A]  }
0xe3: {  	[tilespmem:s31+$0x80] =	vst v7;
	v6 =	vadd.f32 v19, v49;
	v19 =	vld [tilespmem:$0x1FFB0];
	v15 =	vmul.f32 v21, v15  }
0xe4: {  	v18 =	vsub.f32 v18, v30;
	v30 =	vld [tilespmem:s17+$0x8A];
	v14 =	vadd.f32 v14, v39  }
0xe5: {  	[tilespmem:s31+$0x100] =	vst v6;
	v6 =	vadd.f32 v15, v38;
	v15 =	vld [tilespmem:$0x1FFD0]  }
0xe6: {  	v42 =	vcvt.s32.f32 v42;
	[tilespmem:s30+$0xFFFFFF0A] =	vst v14;
	v14 =	vld [tilespmem:$0x1FFC0]  }
0xe7: {  	v56 =	vld.idx.msk [tilespmem:v34+s15+$0x0], $0xffff  }
0xe8: {  	v55 =	vsub.f32 v22, v42;
	v22 =	vld.idx.msk [tilespmem:v34+s3+$0x0], $0xffff;
	v13 =	vmul.f32 v19, v13  }
0xe9: {  	v7 =	vcvt.s32.f32 v61;
	v57 =	vmul.f32 v20, v4;
	v20 =	vld [tilespmem:s17+$0xA]  }
0xea: {  	v21 =	vmul.f32 v23, v50;
	v23 =	vmul.f32 v53, v4;
	[tilespmem:s30+$0xFFFFFF8A] =	vst v6;
	v6 =	vadd.f32 v13, v37;
	v13 =	vld [tilespmem:$0x1FFE0]  }
0xeb: {  	v27 =	vadd.s32 v3, v27;
	v7 =	vsub.f32 v48, v7;
	v15 =	vmul.f32 v14, v15;
	v14 =	vld [tilespmem:$0x1FFF0]  }
0xec: {  	v58 =	vmul.f32 v17, v4;
	v23 =	vadd.f32 v23, v5;
	v62 =	vmul.f32 v24, v4  }
0xed: {  	v25 =	vadd.s32 v3, v25;
	v59 =	vld [tilespmem:s17+$0x10A];
	v19 =	vmul.f32 v16, v52;
	v7 =	vmul.f32 v7, v56  }
0xee: {  	s16 =	sadd.s32 $0x8, s16;
	v42 =	vmovc v55;
	v33 =	vld.idx.msk [tilespmem:v45+s3+$0x0], $0xffff;
	v17 =	vadd.f32 v58, v5;
	v60 =	vtrunc.f32 v23;
	v63 =	vmul.f32 v30, v4  }
0xef: {  	p2 =	slt.u32 s16, $0xC0;
	v34 =	vld.idx.msk [tilespmem:v44+s3+$0x0], $0xffff;
	v16 =	vadd.f32 v57, v5;
	v7 =	vadd.f32 v7, v22;
	v22 =	vmul.f32 v20, v4  }
.Ltmp0:
0xf0: {  	v31 =	vcvt.f32.s32 v60;
	v37 =	vld.idx.msk [tilespmem:v27+s15+$0x0], $0xffff;
	[tilespmem:s30+$0xA] =	vst v6;
	v6 =	vadd.f32 v15, v35;
	v13 =	vmul.f32 v14, v13;
	(pc) =	sbr.rel @p2 .LBB2_3-.Ltmp0, $4  }
0xf1: {  	v24 =	vtrunc.f32 v16;
	v20 =	vadd.f32 v62, v5;
	v15 =	vld.idx.msk [tilespmem:v28+s15+$0x0], $0xffff;
	[tilespmem:s31+$0x18A] =	vst v7;
	v22 =	vadd.f32 v22, v5  }
0xf2: {  	v30 =	vcvt.f32.s32 v24;
	v7 =	vmul.f32 v59, v4;
	[tilespmem:s30+$0x8A] =	vst v6;
	v14 =	vld.idx.msk [tilespmem:v29+s15+$0x0], $0xffff;
	v61 =	vadd.f32 v13, v36  }
0xf3: {  	v41 =	vmovc v18;
	v39 =	vmovc v54;
	v24 =	vadd.f32 v63, v5;
	v35 =	vtrunc.f32 v20;
	v6 =	vtrunc.f32 v17;
	v43 =	vld.idx.msk [tilespmem:v25+s15+$0x0], $0xffff  }
0xf4: {  	v38 =	vmovc v12;
	s17 =	sadd.s32 $0x400, s17;
	v32 =	vcvt.f32.s32 v6;
	v18 =	vadd.f32 v7, v5;
	v13 =	vld.idx.msk [tilespmem:v26+s15+$0x0], $0xffff;
	v36 =	vtrunc.f32 v22;
	[tilespmem:s30+$0x10A] =	vst v61;
	s30 =	smov.u32 s2;
	s2 =	smov.u32 s31  }
0xf5: {  	vm0 =	vgt.s32 v31, $0x1000;
	v0 =	vcvt.f32.s32 v35;
	v1 =	vtrunc.f32 v24  }
0xf6: {  	vm1 =	vgt.s32 v30, $0x1000;
	v2 =	vcvt.f32.s32 v36;
	v44 =	vcvt.s32.f32 v31  }
0xf7: {  	v21 =	vadd.f32 v21, v33;
	v46 =	vcvt.s32.f32 v30;
	v5 =	vnsel vm0, $0x1000, v31  }
0xf8: {  	v19 =	vadd.f32 v19, v34;
	v6 =	vnsel vm1, $0x1000, v30;
	v5 =	vmin.u32 v5, $0x10C6  }
0xf9: {  	v8 =	vld.idx.msk [tilespmem:v29+s3+$0x0], $0xffff;
	v54 =	vmul.f32 v41, v37;
	v6 =	vmin.u32 v6, $0x10C6;
	v5 =	vadd.s32 v3, v5  }
0xfa: {  	v10 =	vld.idx.msk [tilespmem:v28+s3+$0x0], $0xffff;
	v4 =	vtrunc.f32 v18;
	vm2 =	vgt.s32 v32, $0x1000;
	v6 =	vadd.s32 v3, v6  }
0xfb: {  	v12 =	vld.idx.msk [tilespmem:v26+s3+$0x0], $0xffff;
	v1 =	vcvt.f32.s32 v1;
	v47 =	vcvt.s32.f32 v32;
	v7 =	vnsel vm2, $0x1000, v32  }
0xfc: {  	v25 =	vld.idx.msk [tilespmem:v25+s3+$0x0], $0xffff;
	v15 =	vmul.f32 v39, v15;
	vm14 =	vgt.s32 v0, $0x1000;
	v7 =	vmin.u32 v7, $0x10C6  }
0xfd: {  	v27 =	vld.idx.msk [tilespmem:v27+s3+$0x0], $0xffff;
	vm3 =	vgt.s32 v2, $0x1000;
	v9 =	vnsel vm14, $0x1000, v0;
	v7 =	vadd.s32 v3, v7  }
0xfe: {  	v4 =	vcvt.f32.s32 v4;
	v11 =	vnsel vm3, $0x1000, v2;
	v9 =	vmin.u32 v9, $0x10C6;
	v62 =	vld.idx.msk [tilespmem:v5+s15+$0x0], $0xffff  }
0xff: {  	v23 =	vsub.f32 v23, v44;
	v11 =	vmin.u32 v11, $0x10C6;
	v9 =	vadd.s32 v3, v9;
	v36 =	vld.idx.msk [tilespmem:v6+s15+$0x0], $0xffff  }
0x100: {  	v16 =	vsub.f32 v16, v46;
	vm15 =	vgt.s32 v1, $0x1000;
	v11 =	vadd.s32 v3, v11;
	v5 =	vld.idx.msk [tilespmem:v5+s3+$0x0], $0xffff  }
0x101: {  	v14 =	vmul.f32 v40, v14;
	vm4 =	vgt.s32 v4, $0x1000;
	v60 =	vnsel vm15, $0x1000, v1;
	v6 =	vld.idx.msk [tilespmem:v6+s3+$0x0], $0xffff  }
0x102: {  	v0 =	vcvt.s32.f32 v0;
	v61 =	vnsel vm4, $0x1000, v4;
	v26 =	vmin.u32 v60, $0x10C6;
	v45 =	vld.idx.msk [tilespmem:v7+s15+$0x0], $0xffff  }
0x103: {  	[tilespmem:s30+$0xFFFFFE0A] =	vst v21;
	v2 =	vcvt.s32.f32 v2;
	v28 =	vmin.u32 v61, $0x10C6;
	v26 =	vadd.s32 v3, v26;
	v7 =	vld.idx.msk [tilespmem:v7+s3+$0x0], $0xffff  }
0x104: {  	v17 =	vsub.f32 v17, v47;
	v52 =	vmul.f32 v38, v43;
	v63 =	vadd.s32 v3, v28;
	v48 =	vld.idx.msk [tilespmem:v9+s15+$0x0], $0xffff  }
0x105: {  	[tilespmem:s30+$0xFFFFFE8A] =	vst v19;
	v1 =	vcvt.s32.f32 v1;
	v0 =	vsub.f32 v20, v0;
	v8 =	vadd.f32 v14, v8;
	v49 =	vld.idx.msk [tilespmem:v11+s15+$0x0], $0xffff  }
0x106: {  	v13 =	vmul.f32 v42, v13;
	v2 =	vsub.f32 v22, v2;
	v10 =	vadd.f32 v15, v10;
	v9 =	vld.idx.msk [tilespmem:v9+s3+$0x0], $0xffff  }
0x107: {  	v56 =	vadd.f32 v52, v25;
	v58 =	vadd.f32 v54, v27;
	[tilespmem:s30+$0xFFFFFF0A] =	vst v8;
	v11 =	vld.idx.msk [tilespmem:v11+s3+$0x0], $0xffff  }
0x108: {  	v1 =	vsub.f32 v24, v1;
	[tilespmem:s30+$0xFFFFFF8A] =	vst v10;
	v50 =	vld.idx.msk [tilespmem:v26+s15+$0x0], $0xffff;
	v55 =	vmul.f32 v23, v62  }
0x109: {  	v53 =	vadd.f32 v13, v12;
	[tilespmem:s30+$0x8A] =	vst v56;
	v51 =	vld.idx.msk [tilespmem:v63+s15+$0x0], $0xffff;
	v57 =	vmul.f32 v16, v36  }
0x10a: {  	v4 =	vcvt.s32.f32 v4;
	[tilespmem:s30+$0x10A] =	vst v58;
	v59 =	vld.idx.msk [tilespmem:v26+s3+$0x0], $0xffff;
	v60 =	vmul.f32 v17, v45;
	v5 =	vadd.f32 v55, v5  }
0x10b: {  	[tilespmem:s30+$0xA] =	vst v53;
	v3 =	vld.idx.msk [tilespmem:v63+s3+$0x0], $0xffff;
	v6 =	vadd.f32 v57, v6;
	v0 =	vmul.f32 v0, v48  }
0x10c: {  	v4 =	vsub.f32 v18, v4;
	v2 =	vmul.f32 v2, v49;
	v61 =	vadd.f32 v60, v7;
	[tilespmem:s2+$0xFFFFFE0A] =	vst v5  }
0x10d: {  	v1 =	vmul.f32 v1, v50;
	[tilespmem:s2+$0xFFFFFE8A] =	vst v6;
	v0 =	vadd.f32 v0, v9  }
0x10e: {  	p2 =	seq.s32 s28, s13;
	v2 =	vadd.f32 v2, v11;
	v4 =	vmul.f32 v4, v51;
	[tilespmem:s2+$0xFFFFFF0A] =	vst v61  }
0x10f: {  	p1 =	por p2, p1;
	v62 =	vadd.f32 v1, v59;
	[tilespmem:s2+$0xFFFFFF8A] =	vst v0  }
0x110: {  	s1 =	smul.u32 @p1 $0x6400, s1;
	[tilespmem:s2+$0xA] =	vst v2;
	v63 =	vadd.f32 v4, v3  }
0x111: {  	s16 =	sadd.s32 @p1 $0x3, s29;
	[tilespmem:s2+$0x8A] =	vst v62  }
0x112: {  	s17 =	simm.s32 @p1 $0x0;
	s1 =	sshrl.u32 @p1 s1, $0x3;
	[tilespmem:s2+$0x10A] =	vst v63;
	s2 =	simm.s32 $0x1  }
0x113: {  	s1 =	sadd.s32 @p1 s10, s1;
	_ =	strace $0x9000004B;
	s2 =	simm.s32 @!p0 $0x0  }
0x114: {  	p0 =	seq.s32 s28, $0x0;
	_ =	strace @p1 $0x8000004C;
	s26 =	sadd.s32 s2, s26  }
0x115: {  	[hbm4b:s1+s17] =	stream.linear.scatter @p1 [tilespmem:s0], [sflag:s16], $0x6400, $0x200038;
	[tilespmem:$0x1BA80] =	vst v63  }
0x116: {  	s2 =	simm.s32 $0x1;
	s0 =	simm.s32 $0x1;
	_ =	strace @p1 $0x9000004C  }
0x117: {  	s0 =	simm.s32 @!p1 $0x0;
	p1 =	sne.s32 s28, $0x0;
	s28 =	sadd.s32 $0x1, s28  }
0x118: {  	s1 =	sand.u32 @!p0 $0x1, s22;
	s2 =	simm.s32 @!p1 $0x0;
	p1 =	sne.s32 s28, s11  }
.Ltmp1:
0x119: {  	s1 =	sadd.s32 @!p0 $0x3, s1;
	_ =	strace @!p0 $0x8000004D;
	(pc) =	sbr.rel @p1 .LBB2_2-.Ltmp1, $4  }
0x11a: {  	_ =	swait.ge @!p0 [sflag:s1], $0x6400  }
0x11b: {  	[sflag:s1] =	ssyncset.done @!p0 $0x0  }
0x11c: {  	s24 =	sadd.s32 s0, s24;
	[sflag:s1] =	ssyncadd.s32 @!p0 $0xFFFF9C00  }
0x11d: {  	s25 =	sadd.s32 s0, s25;
	s22 =	sadd.s32 s2, s22;
	_ =	strace @!p0 $0x9000004D  }
0x11e: {  	s21 =	sadd.s32 $0x1, s21  }
0x11f: {  	s0 =	sand.u32 $0x1, s22;
	p0 =	sne.s32 s21, s14  }
.Ltmp2:
0x120: {  	_ =	strace $0x8000004E;
	s0 =	sadd.s32 $0x3, s0;
	(pc) =	sbr.rel @p0 .LBB2_1-.Ltmp2, $4  }
0x121: {  	_ =	swait.ge [sflag:s0], $0x6400  }
0x122: {  	[sflag:s0] =	ssyncset.done $0x0  }
0x123: {  	[sflag:s0] =	ssyncadd.s32 $0xFFFF9C00  }
0x124: {  	_ =	strace $0x9000004E  }
0x125: {  	_ =	sfence.sel $0x180000  }
0x126: {  	[bflag:$0x0] =	sbarrier.arrive $0xFFFF  }
0x127: {  	_ =	strace $0x90000047  }
0x128: {  	s0 =	stileid.u32;
	[bflag:$0x2] =	sbarrier.arrive $0xFFFF  }
0x129: {  	p0 =	sne.s32 s0, $0x0;
	s0 =	rddreg [dreg:$0x2]  }
0x12a: {  	s0 =	sadd.s32 @!p0 $0x100000, s0  }
0x12b: {  	[sflag:s0] =	ssyncadd.tile.s32 @!p0 $0x1;
	_ =	shalt  }
.Lfunc_end2:
_tile_overlayer_lowered:
.L_overlay_start_2:
0x12c: {  	(tag) =	ssettag $0x2  }
0x12d: {  	s0 =	rddreg [dreg:$0x0];
	s2 =	stileid.u32  }
0x12e: {  	s1 =	rddreg [dreg:$0x1];
	p0 =	sne.s32 s2, $0x0  }
0x12f: {  	s3 =	rddreg [dreg:$0x2];
	[bflag:$0x3] =	sbarrier.arrive $0xFFFF;
	s2 =	simm.s32 @!p0 $0x1C01  }
0x130: {  	[timem:s3], [sflag:s2] =	dma.local @!p0 [hbm:s0], s1  }
0x131: {  	s0 =	simm.s32 @!p0 $0x1  }
0x132: {  	_ =	swait.ge @!p0 [sflag:s0], s1  }
0x133: {  	s1 =	ssub.s32 @!p0 $0x0, s1;
	[sflag:s0] =	ssyncset.done @!p0 $0x0  }
0x134: {  	[sflag:s0] =	ssyncadd.s32 @!p0 s1  }
0x135: {  	[bflag:$0x3] =	sbarrier.arrive $0xFFFF  }
0x136: {  	_ =	shalt  }

</sc_bundles>
